<compile_context>
chip_gen: v7x
topology: tpu7x:2x2x1
jax: 0.10.2.dev20260603
libtpu: 0.0.44.dev20260713+nightly
codegen_flags: <defaults>
</compile_context>

<pallas_src>
import functools

import jax
import jax.numpy as jnp
from jax import lax
from jax.experimental import pallas as pl
from jax.experimental.pallas import tpu as pltpu
from jax.experimental.pallas import tpu_sc as plsc

N = 16384
D = 20
THRESHOLDS = (1, 2, 3, 4, 8, 16, 32, 64)

NC = 2
NS = 16
NW = NC * NS
B_PER_W = N // NW
L = 16
NBLK = B_PER_W // L


def _sc_body(lengths_hbm, table_hbm, out_hbm, len_v, table_v, rows_v, sem):
    wid = lax.axis_index("s") * NC + lax.axis_index("c")
    base = wid * B_PER_W

    half = B_PER_W // 2
    cp_tab = pltpu.async_copy(table_hbm, table_v, sem)
    cp_hi = pltpu.async_copy(
        lengths_hbm.at[pl.ds(base + half, half)], len_v.at[pl.ds(half, half)], sem
    )
    pltpu.sync_copy(lengths_hbm.at[pl.ds(base, half)], len_v.at[pl.ds(0, half)])
    cp_tab.wait()

    lanes = lax.iota(jnp.int32, L)
    cols = [jnp.full((L,), j, jnp.int32) for j in range(D)]

    def lookup_blocks(lo, hi):
        @plsc.parallel_loop(lo, hi, unroll=2)
        def blk(b):
            lv = len_v[pl.ds(b * L, L)]
            acc = jnp.zeros((L,), jnp.int32)
            for t in THRESHOLDS:
                acc = acc + (lv >= t).astype(jnp.int32)
            rows = lanes + b * L
            for j in range(D):
                vals = plsc.load_gather(table_v, [acc, cols[j]])
                plsc.store_scatter(rows_v, [rows, cols[j]], vals)

    lookup_blocks(0, NBLK // 2)
    cp_hi.wait()
    cp_lo = pltpu.async_copy(
        rows_v.at[pl.ds(0, half)], out_hbm.at[pl.ds(base, half)], sem
    )
    lookup_blocks(NBLK // 2, NBLK)
    pltpu.sync_copy(
        rows_v.at[pl.ds(half, half)], out_hbm.at[pl.ds(base + half, half)]
    )
    cp_lo.wait()


_embed = functools.partial(
    pl.kernel,
    mesh=plsc.VectorSubcoreMesh(core_axis_name="c", subcore_axis_name="s"),
    compiler_params=pltpu.CompilerParams(needs_layout_passes=False),
    out_type=jax.ShapeDtypeStruct((N, D), jnp.float32),
    scratch_types=[
        pltpu.VMEM((B_PER_W,), jnp.int32),
        pltpu.VMEM((9, D), jnp.float32),
        pltpu.VMEM((B_PER_W, D), jnp.float32),
        pltpu.SemaphoreType.DMA,
    ],
)(_sc_body)


def kernel(lengths, table):
    return _embed(lengths.astype(jnp.int32), table.astype(jnp.float32))

# --- scband reference (transcript-rebuilt; emitter-appended) ---
"""Pipeline reference for scband-distance-embedder-43009802502478 (READ-ONLY COPY).

The authoritative reference and input builder live on the scoring server;
editing this copy changes nothing except your own understanding.
"""

import jax, jax.numpy as jnp
import numpy as np

BINS = jnp.array([1, 2, 3, 4, 8, 16, 32, 64], dtype=jnp.int32)


def setup_inputs(seed: int = 0) -> dict:
    key = jax.random.key(seed)
    k1, k2 = jax.random.split(key)
    # forward arg: span lengths / distances
    lengths = jax.random.randint(k1, (16384,), 0, 128)
    # learned parameter: embedding table of shape (len(bins)+1, distance_dim) = (9, 20)
    table = jax.random.normal(k2, (9, 20), dtype=jnp.float32) * 0.02
    return {"lengths": lengths, "table": table}


def reference(lengths, table):
    # stoi: num_bins_smaller_thresh(l) = #{b in BINS : l >= b}
    # == searchsorted(BINS, l, side='right')
    idx = jnp.searchsorted(BINS, lengths, side="right")
    # embedding lookup (Dropout is identity in eval mode)
    return jnp.take(table, idx, axis=0)

if __name__ == "__main__":
    import jax
    _d = setup_inputs()
    print(jax.jit(kernel)(*tuple(_d.values())))

</pallas_src>

<mosaic_0001>
#map = affine_map<(d0, d1) -> (0)>
#map1 = affine_map<(d0, d1) -> (0, 0)>
module attributes {stable_mosaic.version = 14 : i64} {
  func.func @_sc_body(%arg0: i32, %arg1: i32, %arg2: memref<16384xi32, #tpu.memory_space<hbm>>, %arg3: memref<9x20xf32, #tpu.memory_space<hbm>>, %arg4: memref<16384x20xf32, #tpu.memory_space<hbm>>, %arg5: memref<512xi32, #tpu.memory_space<vmem>>, %arg6: memref<9x20xf32, #tpu.memory_space<vmem>>, %arg7: memref<512x20xf32, #tpu.memory_space<vmem>>, %arg8: memref<!tpu.dma_semaphore, #tpu.memory_space<semaphore_mem>>) attributes {dimension_semantics = [#tpu.dimension_semantics<core_parallel>, #tpu.dimension_semantics<subcore_parallel>], iteration_bounds = array<i64: 2, 16>, scalar_prefetch = 0 : i64, scratch_operands = 4 : i64, tpu.core_type = #tpu.core_type<sc_vector_subcore>, window_params = [{transform_indices = #map}, {transform_indices = #map1}, {transform_indices = #map1}]} {
    %mul3A = arith.constant 2 : i32
    %mul3A_0 = arith.muli %arg1, %mul3A : i32
    %add3A = arith.addi %mul3A_0, %arg0 : i32
    %mul3A_1 = arith.constant 512 : i32
    %mul3A_2 = arith.muli %add3A, %mul3A_1 : i32
    tpu.enqueue_dma source(%arg3 : memref<9x20xf32, #tpu.memory_space<hbm>>) target(%arg6 : memref<9x20xf32, #tpu.memory_space<vmem>>) target_semaphore(%arg8 : memref<!tpu.dma_semaphore, #tpu.memory_space<semaphore_mem>>)
    %add3A_3 = arith.constant 256 : i32
    %add3A_4 = arith.addi %mul3A_2, %add3A_3 : i32
    %dma_start3A = arith.constant 256 : i32
    %dma_start3A_5 = tpu.memref_slice %arg5[%dma_start3A] : memref<512xi32, #tpu.memory_space<vmem>> -> memref<256xi32, #tpu.memory_space<vmem>>
    %dma_start3A_6 = tpu.memref_slice %arg2[%add3A_4] : memref<16384xi32, #tpu.memory_space<hbm>> -> memref<256xi32, #tpu.memory_space<hbm>>
    %dma_start3A_7 = arith.constant 256 : i32
    %dma_start3A_8 = tpu.memref_slice %arg5[%dma_start3A_7] : memref<512xi32, #tpu.memory_space<vmem>> -> memref<256xi32, #tpu.memory_space<vmem>>
    %dma_start3A_9 = tpu.memref_slice %arg2[%add3A_4] : memref<16384xi32, #tpu.memory_space<hbm>> -> memref<256xi32, #tpu.memory_space<hbm>>
    tpu.enqueue_dma source(%dma_start3A_9 : memref<256xi32, #tpu.memory_space<hbm>>) target(%dma_start3A_8 : memref<256xi32, #tpu.memory_space<vmem>>) target_semaphore(%arg8 : memref<!tpu.dma_semaphore, #tpu.memory_space<semaphore_mem>>)
    "tpu.region"() ({
      %run_scoped3A = tpu.sem_alloc : memref<!tpu.dma_semaphore, #tpu.memory_space<semaphore_mem>>
      %dma_start3A_81 = arith.constant 0 : i32
      %dma_start3A_82 = tpu.memref_slice %arg5[%dma_start3A_81] : memref<512xi32, #tpu.memory_space<vmem>> -> memref<256xi32, #tpu.memory_space<vmem>>
      %dma_start3A_83 = tpu.memref_slice %arg2[%mul3A_2] : memref<16384xi32, #tpu.memory_space<hbm>> -> memref<256xi32, #tpu.memory_space<hbm>>
      %dma_start3A_84 = arith.constant 0 : i32
      %dma_start3A_85 = tpu.memref_slice %arg5[%dma_start3A_84] : memref<512xi32, #tpu.memory_space<vmem>> -> memref<256xi32, #tpu.memory_space<vmem>>
      %dma_start3A_86 = tpu.memref_slice %arg2[%mul3A_2] : memref<16384xi32, #tpu.memory_space<hbm>> -> memref<256xi32, #tpu.memory_space<hbm>>
      tpu.enqueue_dma source(%dma_start3A_86 : memref<256xi32, #tpu.memory_space<hbm>>) target(%dma_start3A_85 : memref<256xi32, #tpu.memory_space<vmem>>) target_semaphore(%run_scoped3A : memref<!tpu.dma_semaphore, #tpu.memory_space<semaphore_mem>>)
      %dma_wait3A_87 = arith.constant 0 : i32
      %dma_wait3A_88 = tpu.memref_slice %arg5[%dma_wait3A_87] : memref<512xi32, #tpu.memory_space<vmem>> -> memref<256xi32, #tpu.memory_space<vmem>>
      %dma_wait3A_89 = tpu.memref_slice %arg2[%mul3A_2] : memref<16384xi32, #tpu.memory_space<hbm>> -> memref<256xi32, #tpu.memory_space<hbm>>
      %dma_wait3A_90 = arith.constant 0 : i32
      %dma_wait3A_91 = tpu.memref_slice %arg5[%dma_wait3A_90] : memref<512xi32, #tpu.memory_space<vmem>> -> memref<256xi32, #tpu.memory_space<vmem>>
      %dma_wait3A_92 = tpu.memref_slice %arg2[%mul3A_2] : memref<16384xi32, #tpu.memory_space<hbm>> -> memref<256xi32, #tpu.memory_space<hbm>>
      tpu.wait_dma2 semaphore(%run_scoped3A : memref<!tpu.dma_semaphore, #tpu.memory_space<semaphore_mem>>) src(%dma_wait3A_92 : memref<256xi32, #tpu.memory_space<hbm>>) dst(%dma_wait3A_91 : memref<256xi32, #tpu.memory_space<vmem>>)
      tpu.yield
    }) : () -> ()
    tpu.wait_dma2 semaphore(%arg8 : memref<!tpu.dma_semaphore, #tpu.memory_space<semaphore_mem>>) src(%arg3 : memref<9x20xf32, #tpu.memory_space<hbm>>) dst(%arg6 : memref<9x20xf32, #tpu.memory_space<vmem>>)
    %iota3A = tpu.iota {dimensions = array<i32: 0>} : vector<16xi32>
    %broadcast_in_dim3A = arith.constant 0 : i32
    %broadcast_in_dim3A_10 = vector.broadcast %broadcast_in_dim3A : i32 to vector<16xi32>
    %broadcast_in_dim3A_11 = arith.constant 1 : i32
    %broadcast_in_dim3A_12 = vector.broadcast %broadcast_in_dim3A_11 : i32 to vector<16xi32>
    %broadcast_in_dim3A_13 = arith.constant 2 : i32
    %broadcast_in_dim3A_14 = vector.broadcast %broadcast_in_dim3A_13 : i32 to vector<16xi32>
    %broadcast_in_dim3A_15 = arith.constant 3 : i32
    %broadcast_in_dim3A_16 = vector.broadcast %broadcast_in_dim3A_15 : i32 to vector<16xi32>
    %broadcast_in_dim3A_17 = arith.constant 4 : i32
    %broadcast_in_dim3A_18 = vector.broadcast %broadcast_in_dim3A_17 : i32 to vector<16xi32>
    %broadcast_in_dim3A_19 = arith.constant 5 : i32
    %broadcast_in_dim3A_20 = vector.broadcast %broadcast_in_dim3A_19 : i32 to vector<16xi32>
    %broadcast_in_dim3A_21 = arith.constant 6 : i32
    %broadcast_in_dim3A_22 = vector.broadcast %broadcast_in_dim3A_21 : i32 to vector<16xi32>
    %broadcast_in_dim3A_23 = arith.constant 7 : i32
    %broadcast_in_dim3A_24 = vector.broadcast %broadcast_in_dim3A_23 : i32 to vector<16xi32>
    %broadcast_in_dim3A_25 = arith.constant 8 : i32
    %broadcast_in_dim3A_26 = vector.broadcast %broadcast_in_dim3A_25 : i32 to vector<16xi32>
    %broadcast_in_dim3A_27 = arith.constant 9 : i32
    %broadcast_in_dim3A_28 = vector.broadcast %broadcast_in_dim3A_27 : i32 to vector<16xi32>
    %broadcast_in_dim3A_29 = arith.constant 10 : i32
    %broadcast_in_dim3A_30 = vector.broadcast %broadcast_in_dim3A_29 : i32 to vector<16xi32>
    %broadcast_in_dim3A_31 = arith.constant 11 : i32
    %broadcast_in_dim3A_32 = vector.broadcast %broadcast_in_dim3A_31 : i32 to vector<16xi32>
    %broadcast_in_dim3A_33 = arith.constant 12 : i32
    %broadcast_in_dim3A_34 = vector.broadcast %broadcast_in_dim3A_33 : i32 to vector<16xi32>
    %broadcast_in_dim3A_35 = arith.constant 13 : i32
    %broadcast_in_dim3A_36 = vector.broadcast %broadcast_in_dim3A_35 : i32 to vector<16xi32>
    %broadcast_in_dim3A_37 = arith.constant 14 : i32
    %broadcast_in_dim3A_38 = vector.broadcast %broadcast_in_dim3A_37 : i32 to vector<16xi32>
    %broadcast_in_dim3A_39 = arith.constant 15 : i32
    %broadcast_in_dim3A_40 = vector.broadcast %broadcast_in_dim3A_39 : i32 to vector<16xi32>
    %broadcast_in_dim3A_41 = arith.constant 16 : i32
    %broadcast_in_dim3A_42 = vector.broadcast %broadcast_in_dim3A_41 : i32 to vector<16xi32>
    %broadcast_in_dim3A_43 = arith.constant 17 : i32
    %broadcast_in_dim3A_44 = vector.broadcast %broadcast_in_dim3A_43 : i32 to vector<16xi32>
    %broadcast_in_dim3A_45 = arith.constant 18 : i32
    %broadcast_in_dim3A_46 = vector.broadcast %broadcast_in_dim3A_45 : i32 to vector<16xi32>
    %broadcast_in_dim3A_47 = arith.constant 19 : i32
    %broadcast_in_dim3A_48 = vector.broadcast %broadcast_in_dim3A_47 : i32 to vector<16xi32>
    %parallel_loop3A = arith.constant 0 : i32
    %parallel_loop3A_49 = arith.constant 16 : i32
    %parallel_loop3A_50 = arith.constant 1 : i32
    scf.for %parallel_loop3A_81 = %parallel_loop3A to %parallel_loop3A_49 step %parallel_loop3A_50  : i32 {
      %parallel_loop3A_82 = arith.constant 16 : i32
      %parallel_loop3A_83 = arith.muli %parallel_loop3A_81, %parallel_loop3A_82 : i32
      %parallel_loop3A_84 = arith.index_cast %parallel_loop3A_83 : i32 to index
      %parallel_loop3A_85 = tpu.vector_load %arg5[%parallel_loop3A_84] {strides = array<i32>} : memref<512xi32, #tpu.memory_space<vmem>>, vector<16xi32>,
      %parallel_loop3A_86 = arith.constant 0 : i32
      %parallel_loop3A_87 = vector.broadcast %parallel_loop3A_86 : i32 to vector<16xi32>
      %parallel_loop3A_88 = arith.constant 1 : i32
      %parallel_loop3A_89 = vector.broadcast %parallel_loop3A_88 : i32 to vector<16xi32>
      %parallel_loop3A_90 = arith.cmpi sge, %parallel_loop3A_85, %parallel_loop3A_89 : vector<16xi32>
      %parallel_loop3A_91 = arith.extui %parallel_loop3A_90 : vector<16xi1> to vector<16xi32>
      %parallel_loop3A_92 = arith.addi %parallel_loop3A_87, %parallel_loop3A_91 : vector<16xi32>
      %parallel_loop3A_93 = arith.constant 2 : i32
      %parallel_loop3A_94 = vector.broadcast %parallel_loop3A_93 : i32 to vector<16xi32>
      %parallel_loop3A_95 = arith.cmpi sge, %parallel_loop3A_85, %parallel_loop3A_94 : vector<16xi32>
      %parallel_loop3A_96 = arith.extui %parallel_loop3A_95 : vector<16xi1> to vector<16xi32>
      %parallel_loop3A_97 = arith.addi %parallel_loop3A_92, %parallel_loop3A_96 : vector<16xi32>
      %parallel_loop3A_98 = arith.constant 3 : i32
      %parallel_loop3A_99 = vector.broadcast %parallel_loop3A_98 : i32 to vector<16xi32>
      %parallel_loop3A_100 = arith.cmpi sge, %parallel_loop3A_85, %parallel_loop3A_99 : vector<16xi32>
      %parallel_loop3A_101 = arith.extui %parallel_loop3A_100 : vector<16xi1> to vector<16xi32>
      %parallel_loop3A_102 = arith.addi %parallel_loop3A_97, %parallel_loop3A_101 : vector<16xi32>
      %parallel_loop3A_103 = arith.constant 4 : i32
      %parallel_loop3A_104 = vector.broadcast %parallel_loop3A_103 : i32 to vector<16xi32>
      %parallel_loop3A_105 = arith.cmpi sge, %parallel_loop3A_85, %parallel_loop3A_104 : vector<16xi32>
      %parallel_loop3A_106 = arith.extui %parallel_loop3A_105 : vector<16xi1> to vector<16xi32>
      %parallel_loop3A_107 = arith.addi %parallel_loop3A_102, %parallel_loop3A_106 : vector<16xi32>
      %parallel_loop3A_108 = arith.constant 8 : i32
      %parallel_loop3A_109 = vector.broadcast %parallel_loop3A_108 : i32 to vector<16xi32>
      %parallel_loop3A_110 = arith.cmpi sge, %parallel_loop3A_85, %parallel_loop3A_109 : vector<16xi32>
      %parallel_loop3A_111 = arith.extui %parallel_loop3A_110 : vector<16xi1> to vector<16xi32>
      %parallel_loop3A_112 = arith.addi %parallel_loop3A_107, %parallel_loop3A_111 : vector<16xi32>
      %parallel_loop3A_113 = arith.constant 16 : i32
      %parallel_loop3A_114 = vector.broadcast %parallel_loop3A_113 : i32 to vector<16xi32>
      %parallel_loop3A_115 = arith.cmpi sge, %parallel_loop3A_85, %parallel_loop3A_114 : vector<16xi32>
      %parallel_loop3A_116 = arith.extui %parallel_loop3A_115 : vector<16xi1> to vector<16xi32>
      %parallel_loop3A_117 = arith.addi %parallel_loop3A_112, %parallel_loop3A_116 : vector<16xi32>
      %parallel_loop3A_118 = arith.constant 32 : i32
      %parallel_loop3A_119 = vector.broadcast %parallel_loop3A_118 : i32 to vector<16xi32>
      %parallel_loop3A_120 = arith.cmpi sge, %parallel_loop3A_85, %parallel_loop3A_119 : vector<16xi32>
      %parallel_loop3A_121 = arith.extui %parallel_loop3A_120 : vector<16xi1> to vector<16xi32>
      %parallel_loop3A_122 = arith.addi %parallel_loop3A_117, %parallel_loop3A_121 : vector<16xi32>
      %parallel_loop3A_123 = arith.constant 64 : i32
      %parallel_loop3A_124 = vector.broadcast %parallel_loop3A_123 : i32 to vector<16xi32>
      %parallel_loop3A_125 = arith.cmpi sge, %parallel_loop3A_85, %parallel_loop3A_124 : vector<16xi32>
      %parallel_loop3A_126 = arith.extui %parallel_loop3A_125 : vector<16xi1> to vector<16xi32>
      %parallel_loop3A_127 = arith.addi %parallel_loop3A_122, %parallel_loop3A_126 : vector<16xi32>
      %parallel_loop3A_128 = arith.constant 16 : i32
      %parallel_loop3A_129 = arith.muli %parallel_loop3A_81, %parallel_loop3A_128 : i32
      %parallel_loop3A_130 = vector.broadcast %parallel_loop3A_129 : i32 to vector<16xi32>
      %parallel_loop3A_131 = arith.addi %iota3A, %parallel_loop3A_130 : vector<16xi32>
      %parallel_loop3A_132 = tpu.vector_load_idx %arg6[%parallel_loop3A_127, %broadcast_in_dim3A_10] : memref<9x20xf32, #tpu.memory_space<vmem>>[vector<16xi32>, vector<16xi32>], vector<16xf32>,
      tpu.vector_store_idx %arg7[%parallel_loop3A_131, %broadcast_in_dim3A_10], %parallel_loop3A_132 : memref<512x20xf32, #tpu.memory_space<vmem>>[vector<16xi32>, vector<16xi32>], vector<16xf32>,
      %parallel_loop3A_133 = tpu.vector_load_idx %arg6[%parallel_loop3A_127, %broadcast_in_dim3A_12] : memref<9x20xf32, #tpu.memory_space<vmem>>[vector<16xi32>, vector<16xi32>], vector<16xf32>,
      tpu.vector_store_idx %arg7[%parallel_loop3A_131, %broadcast_in_dim3A_12], %parallel_loop3A_133 : memref<512x20xf32, #tpu.memory_space<vmem>>[vector<16xi32>, vector<16xi32>], vector<16xf32>,
      %parallel_loop3A_134 = tpu.vector_load_idx %arg6[%parallel_loop3A_127, %broadcast_in_dim3A_14] : memref<9x20xf32, #tpu.memory_space<vmem>>[vector<16xi32>, vector<16xi32>], vector<16xf32>,
      tpu.vector_store_idx %arg7[%parallel_loop3A_131, %broadcast_in_dim3A_14], %parallel_loop3A_134 : memref<512x20xf32, #tpu.memory_space<vmem>>[vector<16xi32>, vector<16xi32>], vector<16xf32>,
      %parallel_loop3A_135 = tpu.vector_load_idx %arg6[%parallel_loop3A_127, %broadcast_in_dim3A_16] : memref<9x20xf32, #tpu.memory_space<vmem>>[vector<16xi32>, vector<16xi32>], vector<16xf32>,
      tpu.vector_store_idx %arg7[%parallel_loop3A_131, %broadcast_in_dim3A_16], %parallel_loop3A_135 : memref<512x20xf32, #tpu.memory_space<vmem>>[vector<16xi32>, vector<16xi32>], vector<16xf32>,
      %parallel_loop3A_136 = tpu.vector_load_idx %arg6[%parallel_loop3A_127, %broadcast_in_dim3A_18] : memref<9x20xf32, #tpu.memory_space<vmem>>[vector<16xi32>, vector<16xi32>], vector<16xf32>,
      tpu.vector_store_idx %arg7[%parallel_loop3A_131, %broadcast_in_dim3A_18], %parallel_loop3A_136 : memref<512x20xf32, #tpu.memory_space<vmem>>[vector<16xi32>, vector<16xi32>], vector<16xf32>,
      %parallel_loop3A_137 = tpu.vector_load_idx %arg6[%parallel_loop3A_127, %broadcast_in_dim3A_20] : memref<9x20xf32, #tpu.memory_space<vmem>>[vector<16xi32>, vector<16xi32>], vector<16xf32>,
      tpu.vector_store_idx %arg7[%parallel_loop3A_131, %broadcast_in_dim3A_20], %parallel_loop3A_137 : memref<512x20xf32, #tpu.memory_space<vmem>>[vector<16xi32>, vector<16xi32>], vector<16xf32>,
      %parallel_loop3A_138 = tpu.vector_load_idx %arg6[%parallel_loop3A_127, %broadcast_in_dim3A_22] : memref<9x20xf32, #tpu.memory_space<vmem>>[vector<16xi32>, vector<16xi32>], vector<16xf32>,
      tpu.vector_store_idx %arg7[%parallel_loop3A_131, %broadcast_in_dim3A_22], %parallel_loop3A_138 : memref<512x20xf32, #tpu.memory_space<vmem>>[vector<16xi32>, vector<16xi32>], vector<16xf32>,
      %parallel_loop3A_139 = tpu.vector_load_idx %arg6[%parallel_loop3A_127, %broadcast_in_dim3A_24] : memref<9x20xf32, #tpu.memory_space<vmem>>[vector<16xi32>, vector<16xi32>], vector<16xf32>,
      tpu.vector_store_idx %arg7[%parallel_loop3A_131, %broadcast_in_dim3A_24], %parallel_loop3A_139 : memref<512x20xf32, #tpu.memory_space<vmem>>[vector<16xi32>, vector<16xi32>], vector<16xf32>,
      %parallel_loop3A_140 = tpu.vector_load_idx %arg6[%parallel_loop3A_127, %broadcast_in_dim3A_26] : memref<9x20xf32, #tpu.memory_space<vmem>>[vector<16xi32>, vector<16xi32>], vector<16xf32>,
      tpu.vector_store_idx %arg7[%parallel_loop3A_131, %broadcast_in_dim3A_26], %parallel_loop3A_140 : memref<512x20xf32, #tpu.memory_space<vmem>>[vector<16xi32>, vector<16xi32>], vector<16xf32>,
      %parallel_loop3A_141 = tpu.vector_load_idx %arg6[%parallel_loop3A_127, %broadcast_in_dim3A_28] : memref<9x20xf32, #tpu.memory_space<vmem>>[vector<16xi32>, vector<16xi32>], vector<16xf32>,
      tpu.vector_store_idx %arg7[%parallel_loop3A_131, %broadcast_in_dim3A_28], %parallel_loop3A_141 : memref<512x20xf32, #tpu.memory_space<vmem>>[vector<16xi32>, vector<16xi32>], vector<16xf32>,
      %parallel_loop3A_142 = tpu.vector_load_idx %arg6[%parallel_loop3A_127, %broadcast_in_dim3A_30] : memref<9x20xf32, #tpu.memory_space<vmem>>[vector<16xi32>, vector<16xi32>], vector<16xf32>,
      tpu.vector_store_idx %arg7[%parallel_loop3A_131, %broadcast_in_dim3A_30], %parallel_loop3A_142 : memref<512x20xf32, #tpu.memory_space<vmem>>[vector<16xi32>, vector<16xi32>], vector<16xf32>,
      %parallel_loop3A_143 = tpu.vector_load_idx %arg6[%parallel_loop3A_127, %broadcast_in_dim3A_32] : memref<9x20xf32, #tpu.memory_space<vmem>>[vector<16xi32>, vector<16xi32>], vector<16xf32>,
      tpu.vector_store_idx %arg7[%parallel_loop3A_131, %broadcast_in_dim3A_32], %parallel_loop3A_143 : memref<512x20xf32, #tpu.memory_space<vmem>>[vector<16xi32>, vector<16xi32>], vector<16xf32>,
      %parallel_loop3A_144 = tpu.vector_load_idx %arg6[%parallel_loop3A_127, %broadcast_in_dim3A_34] : memref<9x20xf32, #tpu.memory_space<vmem>>[vector<16xi32>, vector<16xi32>], vector<16xf32>,
      tpu.vector_store_idx %arg7[%parallel_loop3A_131, %broadcast_in_dim3A_34], %parallel_loop3A_144 : memref<512x20xf32, #tpu.memory_space<vmem>>[vector<16xi32>, vector<16xi32>], vector<16xf32>,
      %parallel_loop3A_145 = tpu.vector_load_idx %arg6[%parallel_loop3A_127, %broadcast_in_dim3A_36] : memref<9x20xf32, #tpu.memory_space<vmem>>[vector<16xi32>, vector<16xi32>], vector<16xf32>,
      tpu.vector_store_idx %arg7[%parallel_loop3A_131, %broadcast_in_dim3A_36], %parallel_loop3A_145 : memref<512x20xf32, #tpu.memory_space<vmem>>[vector<16xi32>, vector<16xi32>], vector<16xf32>,
      %parallel_loop3A_146 = tpu.vector_load_idx %arg6[%parallel_loop3A_127, %broadcast_in_dim3A_38] : memref<9x20xf32, #tpu.memory_space<vmem>>[vector<16xi32>, vector<16xi32>], vector<16xf32>,
      tpu.vector_store_idx %arg7[%parallel_loop3A_131, %broadcast_in_dim3A_38], %parallel_loop3A_146 : memref<512x20xf32, #tpu.memory_space<vmem>>[vector<16xi32>, vector<16xi32>], vector<16xf32>,
      %parallel_loop3A_147 = tpu.vector_load_idx %arg6[%parallel_loop3A_127, %broadcast_in_dim3A_40] : memref<9x20xf32, #tpu.memory_space<vmem>>[vector<16xi32>, vector<16xi32>], vector<16xf32>,
      tpu.vector_store_idx %arg7[%parallel_loop3A_131, %broadcast_in_dim3A_40], %parallel_loop3A_147 : memref<512x20xf32, #tpu.memory_space<vmem>>[vector<16xi32>, vector<16xi32>], vector<16xf32>,
      %parallel_loop3A_148 = tpu.vector_load_idx %arg6[%parallel_loop3A_127, %broadcast_in_dim3A_42] : memref<9x20xf32, #tpu.memory_space<vmem>>[vector<16xi32>, vector<16xi32>], vector<16xf32>,
      tpu.vector_store_idx %arg7[%parallel_loop3A_131, %broadcast_in_dim3A_42], %parallel_loop3A_148 : memref<512x20xf32, #tpu.memory_space<vmem>>[vector<16xi32>, vector<16xi32>], vector<16xf32>,
      %parallel_loop3A_149 = tpu.vector_load_idx %arg6[%parallel_loop3A_127, %broadcast_in_dim3A_44] : memref<9x20xf32, #tpu.memory_space<vmem>>[vector<16xi32>, vector<16xi32>], vector<16xf32>,
      tpu.vector_store_idx %arg7[%parallel_loop3A_131, %broadcast_in_dim3A_44], %parallel_loop3A_149 : memref<512x20xf32, #tpu.memory_space<vmem>>[vector<16xi32>, vector<16xi32>], vector<16xf32>,
      %parallel_loop3A_150 = tpu.vector_load_idx %arg6[%parallel_loop3A_127, %broadcast_in_dim3A_46] : memref<9x20xf32, #tpu.memory_space<vmem>>[vector<16xi32>, vector<16xi32>], vector<16xf32>,
      tpu.vector_store_idx %arg7[%parallel_loop3A_131, %broadcast_in_dim3A_46], %parallel_loop3A_150 : memref<512x20xf32, #tpu.memory_space<vmem>>[vector<16xi32>, vector<16xi32>], vector<16xf32>,
      %parallel_loop3A_151 = tpu.vector_load_idx %arg6[%parallel_loop3A_127, %broadcast_in_dim3A_48] : memref<9x20xf32, #tpu.memory_space<vmem>>[vector<16xi32>, vector<16xi32>], vector<16xf32>,
      tpu.vector_store_idx %arg7[%parallel_loop3A_131, %broadcast_in_dim3A_48], %parallel_loop3A_151 : memref<512x20xf32, #tpu.memory_space<vmem>>[vector<16xi32>, vector<16xi32>], vector<16xf32>,
    } {sc.loop_unroll_factor = 2 : i64, sc.parallel_access}
    %dma_wait3A = arith.constant 256 : i32
    %dma_wait3A_51 = tpu.memref_slice %arg5[%dma_wait3A] : memref<512xi32, #tpu.memory_space<vmem>> -> memref<256xi32, #tpu.memory_space<vmem>>
    %dma_wait3A_52 = tpu.memref_slice %arg2[%add3A_4] : memref<16384xi32, #tpu.memory_space<hbm>> -> memref<256xi32, #tpu.memory_space<hbm>>
    %dma_wait3A_53 = arith.constant 256 : i32
    %dma_wait3A_54 = tpu.memref_slice %arg5[%dma_wait3A_53] : memref<512xi32, #tpu.memory_space<vmem>> -> memref<256xi32, #tpu.memory_space<vmem>>
    %dma_wait3A_55 = tpu.memref_slice %arg2[%add3A_4] : memref<16384xi32, #tpu.memory_space<hbm>> -> memref<256xi32, #tpu.memory_space<hbm>>
    tpu.wait_dma2 semaphore(%arg8 : memref<!tpu.dma_semaphore, #tpu.memory_space<semaphore_mem>>) src(%dma_wait3A_55 : memref<256xi32, #tpu.memory_space<hbm>>) dst(%dma_wait3A_54 : memref<256xi32, #tpu.memory_space<vmem>>)
    %dma_start3A_56 = arith.constant 0 : i32
    %dma_start3A_57 = arith.constant 0 : i32
    %dma_start3A_58 = tpu.memref_slice %arg7[%dma_start3A_56, %dma_start3A_57] : memref<512x20xf32, #tpu.memory_space<vmem>> -> memref<256x20xf32, #tpu.memory_space<vmem>>
    %dma_start3A_59 = arith.constant 0 : i32
    %dma_start3A_60 = tpu.memref_slice %arg4[%mul3A_2, %dma_start3A_59] : memref<16384x20xf32, #tpu.memory_space<hbm>> -> memref<256x20xf32, #tpu.memory_space<hbm>>
    %dma_start3A_61 = arith.constant 0 : i32
    %dma_start3A_62 = tpu.memref_slice %arg4[%mul3A_2, %dma_start3A_61] : memref<16384x20xf32, #tpu.memory_space<hbm>> -> memref<256x20xf32, #tpu.memory_space<hbm>>
    %dma_start3A_63 = arith.constant 0 : i32
    %dma_start3A_64 = arith.constant 0 : i32
    %dma_start3A_65 = tpu.memref_slice %arg7[%dma_start3A_63, %dma_start3A_64] : memref<512x20xf32, #tpu.memory_space<vmem>> -> memref<256x20xf32, #tpu.memory_space<vmem>>
    tpu.enqueue_dma source(%dma_start3A_65 : memref<256x20xf32, #tpu.memory_space<vmem>>) target(%dma_start3A_62 : memref<256x20xf32, #tpu.memory_space<hbm>>) target_semaphore(%arg8 : memref<!tpu.dma_semaphore, #tpu.memory_space<semaphore_mem>>)
    %parallel_loop3A_66 = arith.constant 16 : i32
    %parallel_loop3A_67 = arith.constant 32 : i32
    %parallel_loop3A_68 = arith.constant 1 : i32
    scf.for %parallel_loop3A_81 = %parallel_loop3A_66 to %parallel_loop3A_67 step %parallel_loop3A_68  : i32 {
      %parallel_loop3A_82 = arith.constant 16 : i32
      %parallel_loop3A_83 = arith.muli %parallel_loop3A_81, %parallel_loop3A_82 : i32
      %parallel_loop3A_84 = arith.index_cast %parallel_loop3A_83 : i32 to index
      %parallel_loop3A_85 = tpu.vector_load %arg5[%parallel_loop3A_84] {strides = array<i32>} : memref<512xi32, #tpu.memory_space<vmem>>, vector<16xi32>,
      %parallel_loop3A_86 = arith.constant 0 : i32
      %parallel_loop3A_87 = vector.broadcast %parallel_loop3A_86 : i32 to vector<16xi32>
      %parallel_loop3A_88 = arith.constant 1 : i32
      %parallel_loop3A_89 = vector.broadcast %parallel_loop3A_88 : i32 to vector<16xi32>
      %parallel_loop3A_90 = arith.cmpi sge, %parallel_loop3A_85, %parallel_loop3A_89 : vector<16xi32>
      %parallel_loop3A_91 = arith.extui %parallel_loop3A_90 : vector<16xi1> to vector<16xi32>
      %parallel_loop3A_92 = arith.addi %parallel_loop3A_87, %parallel_loop3A_91 : vector<16xi32>
      %parallel_loop3A_93 = arith.constant 2 : i32
      %parallel_loop3A_94 = vector.broadcast %parallel_loop3A_93 : i32 to vector<16xi32>
      %parallel_loop3A_95 = arith.cmpi sge, %parallel_loop3A_85, %parallel_loop3A_94 : vector<16xi32>
      %parallel_loop3A_96 = arith.extui %parallel_loop3A_95 : vector<16xi1> to vector<16xi32>
      %parallel_loop3A_97 = arith.addi %parallel_loop3A_92, %parallel_loop3A_96 : vector<16xi32>
      %parallel_loop3A_98 = arith.constant 3 : i32
      %parallel_loop3A_99 = vector.broadcast %parallel_loop3A_98 : i32 to vector<16xi32>
      %parallel_loop3A_100 = arith.cmpi sge, %parallel_loop3A_85, %parallel_loop3A_99 : vector<16xi32>
      %parallel_loop3A_101 = arith.extui %parallel_loop3A_100 : vector<16xi1> to vector<16xi32>
      %parallel_loop3A_102 = arith.addi %parallel_loop3A_97, %parallel_loop3A_101 : vector<16xi32>
      %parallel_loop3A_103 = arith.constant 4 : i32
      %parallel_loop3A_104 = vector.broadcast %parallel_loop3A_103 : i32 to vector<16xi32>
      %parallel_loop3A_105 = arith.cmpi sge, %parallel_loop3A_85, %parallel_loop3A_104 : vector<16xi32>
      %parallel_loop3A_106 = arith.extui %parallel_loop3A_105 : vector<16xi1> to vector<16xi32>
      %parallel_loop3A_107 = arith.addi %parallel_loop3A_102, %parallel_loop3A_106 : vector<16xi32>
      %parallel_loop3A_108 = arith.constant 8 : i32
      %parallel_loop3A_109 = vector.broadcast %parallel_loop3A_108 : i32 to vector<16xi32>
      %parallel_loop3A_110 = arith.cmpi sge, %parallel_loop3A_85, %parallel_loop3A_109 : vector<16xi32>
      %parallel_loop3A_111 = arith.extui %parallel_loop3A_110 : vector<16xi1> to vector<16xi32>
      %parallel_loop3A_112 = arith.addi %parallel_loop3A_107, %parallel_loop3A_111 : vector<16xi32>
      %parallel_loop3A_113 = arith.constant 16 : i32
      %parallel_loop3A_114 = vector.broadcast %parallel_loop3A_113 : i32 to vector<16xi32>
      %parallel_loop3A_115 = arith.cmpi sge, %parallel_loop3A_85, %parallel_loop3A_114 : vector<16xi32>
      %parallel_loop3A_116 = arith.extui %parallel_loop3A_115 : vector<16xi1> to vector<16xi32>
      %parallel_loop3A_117 = arith.addi %parallel_loop3A_112, %parallel_loop3A_116 : vector<16xi32>
      %parallel_loop3A_118 = arith.constant 32 : i32
      %parallel_loop3A_119 = vector.broadcast %parallel_loop3A_118 : i32 to vector<16xi32>
      %parallel_loop3A_120 = arith.cmpi sge, %parallel_loop3A_85, %parallel_loop3A_119 : vector<16xi32>
      %parallel_loop3A_121 = arith.extui %parallel_loop3A_120 : vector<16xi1> to vector<16xi32>
      %parallel_loop3A_122 = arith.addi %parallel_loop3A_117, %parallel_loop3A_121 : vector<16xi32>
      %parallel_loop3A_123 = arith.constant 64 : i32
      %parallel_loop3A_124 = vector.broadcast %parallel_loop3A_123 : i32 to vector<16xi32>
      %parallel_loop3A_125 = arith.cmpi sge, %parallel_loop3A_85, %parallel_loop3A_124 : vector<16xi32>
      %parallel_loop3A_126 = arith.extui %parallel_loop3A_125 : vector<16xi1> to vector<16xi32>
      %parallel_loop3A_127 = arith.addi %parallel_loop3A_122, %parallel_loop3A_126 : vector<16xi32>
      %parallel_loop3A_128 = arith.constant 16 : i32
      %parallel_loop3A_129 = arith.muli %parallel_loop3A_81, %parallel_loop3A_128 : i32
      %parallel_loop3A_130 = vector.broadcast %parallel_loop3A_129 : i32 to vector<16xi32>
      %parallel_loop3A_131 = arith.addi %iota3A, %parallel_loop3A_130 : vector<16xi32>
      %parallel_loop3A_132 = tpu.vector_load_idx %arg6[%parallel_loop3A_127, %broadcast_in_dim3A_10] : memref<9x20xf32, #tpu.memory_space<vmem>>[vector<16xi32>, vector<16xi32>], vector<16xf32>,
      tpu.vector_store_idx %arg7[%parallel_loop3A_131, %broadcast_in_dim3A_10], %parallel_loop3A_132 : memref<512x20xf32, #tpu.memory_space<vmem>>[vector<16xi32>, vector<16xi32>], vector<16xf32>,
      %parallel_loop3A_133 = tpu.vector_load_idx %arg6[%parallel_loop3A_127, %broadcast_in_dim3A_12] : memref<9x20xf32, #tpu.memory_space<vmem>>[vector<16xi32>, vector<16xi32>], vector<16xf32>,
      tpu.vector_store_idx %arg7[%parallel_loop3A_131, %broadcast_in_dim3A_12], %parallel_loop3A_133 : memref<512x20xf32, #tpu.memory_space<vmem>>[vector<16xi32>, vector<16xi32>], vector<16xf32>,
      %parallel_loop3A_134 = tpu.vector_load_idx %arg6[%parallel_loop3A_127, %broadcast_in_dim3A_14] : memref<9x20xf32, #tpu.memory_space<vmem>>[vector<16xi32>, vector<16xi32>], vector<16xf32>,
      tpu.vector_store_idx %arg7[%parallel_loop3A_131, %broadcast_in_dim3A_14], %parallel_loop3A_134 : memref<512x20xf32, #tpu.memory_space<vmem>>[vector<16xi32>, vector<16xi32>], vector<16xf32>,
      %parallel_loop3A_135 = tpu.vector_load_idx %arg6[%parallel_loop3A_127, %broadcast_in_dim3A_16] : memref<9x20xf32, #tpu.memory_space<vmem>>[vector<16xi32>, vector<16xi32>], vector<16xf32>,
      tpu.vector_store_idx %arg7[%parallel_loop3A_131, %broadcast_in_dim3A_16], %parallel_loop3A_135 : memref<512x20xf32, #tpu.memory_space<vmem>>[vector<16xi32>, vector<16xi32>], vector<16xf32>,
      %parallel_loop3A_136 = tpu.vector_load_idx %arg6[%parallel_loop3A_127, %broadcast_in_dim3A_18] : memref<9x20xf32, #tpu.memory_space<vmem>>[vector<16xi32>, vector<16xi32>], vector<16xf32>,
      tpu.vector_store_idx %arg7[%parallel_loop3A_131, %broadcast_in_dim3A_18], %parallel_loop3A_136 : memref<512x20xf32, #tpu.memory_space<vmem>>[vector<16xi32>, vector<16xi32>], vector<16xf32>,
      %parallel_loop3A_137 = tpu.vector_load_idx %arg6[%parallel_loop3A_127, %broadcast_in_dim3A_20] : memref<9x20xf32, #tpu.memory_space<vmem>>[vector<16xi32>, vector<16xi32>], vector<16xf32>,
      tpu.vector_store_idx %arg7[%parallel_loop3A_131, %broadcast_in_dim3A_20], %parallel_loop3A_137 : memref<512x20xf32, #tpu.memory_space<vmem>>[vector<16xi32>, vector<16xi32>], vector<16xf32>,
      %parallel_loop3A_138 = tpu.vector_load_idx %arg6[%parallel_loop3A_127, %broadcast_in_dim3A_22] : memref<9x20xf32, #tpu.memory_space<vmem>>[vector<16xi32>, vector<16xi32>], vector<16xf32>,
      tpu.vector_store_idx %arg7[%parallel_loop3A_131, %broadcast_in_dim3A_22], %parallel_loop3A_138 : memref<512x20xf32, #tpu.memory_space<vmem>>[vector<16xi32>, vector<16xi32>], vector<16xf32>,
      %parallel_loop3A_139 = tpu.vector_load_idx %arg6[%parallel_loop3A_127, %broadcast_in_dim3A_24] : memref<9x20xf32, #tpu.memory_space<vmem>>[vector<16xi32>, vector<16xi32>], vector<16xf32>,
      tpu.vector_store_idx %arg7[%parallel_loop3A_131, %broadcast_in_dim3A_24], %parallel_loop3A_139 : memref<512x20xf32, #tpu.memory_space<vmem>>[vector<16xi32>, vector<16xi32>], vector<16xf32>,
      %parallel_loop3A_140 = tpu.vector_load_idx %arg6[%parallel_loop3A_127, %broadcast_in_dim3A_26] : memref<9x20xf32, #tpu.memory_space<vmem>>[vector<16xi32>, vector<16xi32>], vector<16xf32>,
      tpu.vector_store_idx %arg7[%parallel_loop3A_131, %broadcast_in_dim3A_26], %parallel_loop3A_140 : memref<512x20xf32, #tpu.memory_space<vmem>>[vector<16xi32>, vector<16xi32>], vector<16xf32>,
      %parallel_loop3A_141 = tpu.vector_load_idx %arg6[%parallel_loop3A_127, %broadcast_in_dim3A_28] : memref<9x20xf32, #tpu.memory_space<vmem>>[vector<16xi32>, vector<16xi32>], vector<16xf32>,
      tpu.vector_store_idx %arg7[%parallel_loop3A_131, %broadcast_in_dim3A_28], %parallel_loop3A_141 : memref<512x20xf32, #tpu.memory_space<vmem>>[vector<16xi32>, vector<16xi32>], vector<16xf32>,
      %parallel_loop3A_142 = tpu.vector_load_idx %arg6[%parallel_loop3A_127, %broadcast_in_dim3A_30] : memref<9x20xf32, #tpu.memory_space<vmem>>[vector<16xi32>, vector<16xi32>], vector<16xf32>,
      tpu.vector_store_idx %arg7[%parallel_loop3A_131, %broadcast_in_dim3A_30], %parallel_loop3A_142 : memref<512x20xf32, #tpu.memory_space<vmem>>[vector<16xi32>, vector<16xi32>], vector<16xf32>,
      %parallel_loop3A_143 = tpu.vector_load_idx %arg6[%parallel_loop3A_127, %broadcast_in_dim3A_32] : memref<9x20xf32, #tpu.memory_space<vmem>>[vector<16xi32>, vector<16xi32>], vector<16xf32>,
      tpu.vector_store_idx %arg7[%parallel_loop3A_131, %broadcast_in_dim3A_32], %parallel_loop3A_143 : memref<512x20xf32, #tpu.memory_space<vmem>>[vector<16xi32>, vector<16xi32>], vector<16xf32>,
      %parallel_loop3A_144 = tpu.vector_load_idx %arg6[%parallel_loop3A_127, %broadcast_in_dim3A_34] : memref<9x20xf32, #tpu.memory_space<vmem>>[vector<16xi32>, vector<16xi32>], vector<16xf32>,
      tpu.vector_store_idx %arg7[%parallel_loop3A_131, %broadcast_in_dim3A_34], %parallel_loop3A_144 : memref<512x20xf32, #tpu.memory_space<vmem>>[vector<16xi32>, vector<16xi32>], vector<16xf32>,
      %parallel_loop3A_145 = tpu.vector_load_idx %arg6[%parallel_loop3A_127, %broadcast_in_dim3A_36] : memref<9x20xf32, #tpu.memory_space<vmem>>[vector<16xi32>, vector<16xi32>], vector<16xf32>,
      tpu.vector_store_idx %arg7[%parallel_loop3A_131, %broadcast_in_dim3A_36], %parallel_loop3A_145 : memref<512x20xf32, #tpu.memory_space<vmem>>[vector<16xi32>, vector<16xi32>], vector<16xf32>,
      %parallel_loop3A_146 = tpu.vector_load_idx %arg6[%parallel_loop3A_127, %broadcast_in_dim3A_38] : memref<9x20xf32, #tpu.memory_space<vmem>>[vector<16xi32>, vector<16xi32>], vector<16xf32>,
      tpu.vector_store_idx %arg7[%parallel_loop3A_131, %broadcast_in_dim3A_38], %parallel_loop3A_146 : memref<512x20xf32, #tpu.memory_space<vmem>>[vector<16xi32>, vector<16xi32>], vector<16xf32>,
      %parallel_loop3A_147 = tpu.vector_load_idx %arg6[%parallel_loop3A_127, %broadcast_in_dim3A_40] : memref<9x20xf32, #tpu.memory_space<vmem>>[vector<16xi32>, vector<16xi32>], vector<16xf32>,
      tpu.vector_store_idx %arg7[%parallel_loop3A_131, %broadcast_in_dim3A_40], %parallel_loop3A_147 : memref<512x20xf32, #tpu.memory_space<vmem>>[vector<16xi32>, vector<16xi32>], vector<16xf32>,
      %parallel_loop3A_148 = tpu.vector_load_idx %arg6[%parallel_loop3A_127, %broadcast_in_dim3A_42] : memref<9x20xf32, #tpu.memory_space<vmem>>[vector<16xi32>, vector<16xi32>], vector<16xf32>,
      tpu.vector_store_idx %arg7[%parallel_loop3A_131, %broadcast_in_dim3A_42], %parallel_loop3A_148 : memref<512x20xf32, #tpu.memory_space<vmem>>[vector<16xi32>, vector<16xi32>], vector<16xf32>,
      %parallel_loop3A_149 = tpu.vector_load_idx %arg6[%parallel_loop3A_127, %broadcast_in_dim3A_44] : memref<9x20xf32, #tpu.memory_space<vmem>>[vector<16xi32>, vector<16xi32>], vector<16xf32>,
      tpu.vector_store_idx %arg7[%parallel_loop3A_131, %broadcast_in_dim3A_44], %parallel_loop3A_149 : memref<512x20xf32, #tpu.memory_space<vmem>>[vector<16xi32>, vector<16xi32>], vector<16xf32>,
      %parallel_loop3A_150 = tpu.vector_load_idx %arg6[%parallel_loop3A_127, %broadcast_in_dim3A_46] : memref<9x20xf32, #tpu.memory_space<vmem>>[vector<16xi32>, vector<16xi32>], vector<16xf32>,
      tpu.vector_store_idx %arg7[%parallel_loop3A_131, %broadcast_in_dim3A_46], %parallel_loop3A_150 : memref<512x20xf32, #tpu.memory_space<vmem>>[vector<16xi32>, vector<16xi32>], vector<16xf32>,
      %parallel_loop3A_151 = tpu.vector_load_idx %arg6[%parallel_loop3A_127, %broadcast_in_dim3A_48] : memref<9x20xf32, #tpu.memory_space<vmem>>[vector<16xi32>, vector<16xi32>], vector<16xf32>,
      tpu.vector_store_idx %arg7[%parallel_loop3A_131, %broadcast_in_dim3A_48], %parallel_loop3A_151 : memref<512x20xf32, #tpu.memory_space<vmem>>[vector<16xi32>, vector<16xi32>], vector<16xf32>,
    } {sc.loop_unroll_factor = 2 : i64, sc.parallel_access}
    %add3A_69 = arith.constant 256 : i32
    %add3A_70 = arith.addi %mul3A_2, %add3A_69 : i32
    "tpu.region"() ({
      %run_scoped3A = tpu.sem_alloc : memref<!tpu.dma_semaphore, #tpu.memory_space<semaphore_mem>>
      %dma_start3A_81 = arith.constant 256 : i32
      %dma_start3A_82 = arith.constant 0 : i32
      %dma_start3A_83 = tpu.memref_slice %arg7[%dma_start3A_81, %dma_start3A_82] : memref<512x20xf32, #tpu.memory_space<vmem>> -> memref<256x20xf32, #tpu.memory_space<vmem>>
      %dma_start3A_84 = arith.constant 0 : i32
      %dma_start3A_85 = tpu.memref_slice %arg4[%add3A_70, %dma_start3A_84] : memref<16384x20xf32, #tpu.memory_space<hbm>> -> memref<256x20xf32, #tpu.memory_space<hbm>>
      %dma_start3A_86 = arith.constant 0 : i32
      %dma_start3A_87 = tpu.memref_slice %arg4[%add3A_70, %dma_start3A_86] : memref<16384x20xf32, #tpu.memory_space<hbm>> -> memref<256x20xf32, #tpu.memory_space<hbm>>
      %dma_start3A_88 = arith.constant 256 : i32
      %dma_start3A_89 = arith.constant 0 : i32
      %dma_start3A_90 = tpu.memref_slice %arg7[%dma_start3A_88, %dma_start3A_89] : memref<512x20xf32, #tpu.memory_space<vmem>> -> memref<256x20xf32, #tpu.memory_space<vmem>>
      tpu.enqueue_dma source(%dma_start3A_90 : memref<256x20xf32, #tpu.memory_space<vmem>>) target(%dma_start3A_87 : memref<256x20xf32, #tpu.memory_space<hbm>>) target_semaphore(%run_scoped3A : memref<!tpu.dma_semaphore, #tpu.memory_space<semaphore_mem>>)
      %dma_wait3A_91 = arith.constant 256 : i32
      %dma_wait3A_92 = arith.constant 0 : i32
      %dma_wait3A_93 = tpu.memref_slice %arg7[%dma_wait3A_91, %dma_wait3A_92] : memref<512x20xf32, #tpu.memory_space<vmem>> -> memref<256x20xf32, #tpu.memory_space<vmem>>
      %dma_wait3A_94 = arith.constant 0 : i32
      %dma_wait3A_95 = tpu.memref_slice %arg4[%add3A_70, %dma_wait3A_94] : memref<16384x20xf32, #tpu.memory_space<hbm>> -> memref<256x20xf32, #tpu.memory_space<hbm>>
      %dma_wait3A_96 = arith.constant 0 : i32
      %dma_wait3A_97 = tpu.memref_slice %arg4[%add3A_70, %dma_wait3A_96] : memref<16384x20xf32, #tpu.memory_space<hbm>> -> memref<256x20xf32, #tpu.memory_space<hbm>>
      %dma_wait3A_98 = arith.constant 256 : i32
      %dma_wait3A_99 = arith.constant 0 : i32
      %dma_wait3A_100 = tpu.memref_slice %arg7[%dma_wait3A_98, %dma_wait3A_99] : memref<512x20xf32, #tpu.memory_space<vmem>> -> memref<256x20xf32, #tpu.memory_space<vmem>>
      tpu.wait_dma2 semaphore(%run_scoped3A : memref<!tpu.dma_semaphore, #tpu.memory_space<semaphore_mem>>) src(%dma_wait3A_100 : memref<256x20xf32, #tpu.memory_space<vmem>>) dst(%dma_wait3A_97 : memref<256x20xf32, #tpu.memory_space<hbm>>)
      tpu.yield
    }) : () -> ()
    %dma_wait3A_71 = arith.constant 0 : i32
    %dma_wait3A_72 = arith.constant 0 : i32
    %dma_wait3A_73 = tpu.memref_slice %arg7[%dma_wait3A_71, %dma_wait3A_72] : memref<512x20xf32, #tpu.memory_space<vmem>> -> memref<256x20xf32, #tpu.memory_space<vmem>>
    %dma_wait3A_74 = arith.constant 0 : i32
    %dma_wait3A_75 = tpu.memref_slice %arg4[%mul3A_2, %dma_wait3A_74] : memref<16384x20xf32, #tpu.memory_space<hbm>> -> memref<256x20xf32, #tpu.memory_space<hbm>>
    %dma_wait3A_76 = arith.constant 0 : i32
    %dma_wait3A_77 = tpu.memref_slice %arg4[%mul3A_2, %dma_wait3A_76] : memref<16384x20xf32, #tpu.memory_space<hbm>> -> memref<256x20xf32, #tpu.memory_space<hbm>>
    %dma_wait3A_78 = arith.constant 0 : i32
    %dma_wait3A_79 = arith.constant 0 : i32
    %dma_wait3A_80 = tpu.memref_slice %arg7[%dma_wait3A_78, %dma_wait3A_79] : memref<512x20xf32, #tpu.memory_space<vmem>> -> memref<256x20xf32, #tpu.memory_space<vmem>>
    tpu.wait_dma2 semaphore(%arg8 : memref<!tpu.dma_semaphore, #tpu.memory_space<semaphore_mem>>) src(%dma_wait3A_80 : memref<256x20xf32, #tpu.memory_space<vmem>>) dst(%dma_wait3A_77 : memref<256x20xf32, #tpu.memory_space<hbm>>)
    return
  }
}

</mosaic_0001>

<sc_bundles>
// kernel: kernel.3.cloned.1.call-start
scs
__scs_entry_jumppad:
0x0: {  	(pc) =	sbr.rel $0x88, $3  }
0x1: {  	(tag) =	ssettag $0x0;
	lr =	simm.s32 $0x1  }
0x2: {  	[smem:$0x3F9F] =	sst lr;
	_ =	strace $0xD0000000  }
0x3: {  	_ = 	snop  }
0x4: {  	_ = 	snop  }
0x5: {  	_ = 	snop  }
0x6: {  	_ = 	snop  }
0x7: {  	_ = 	snop  }
__scs_overlays_trampoline_lowered:
0x8: {  	[smem:$0x3FAE] =	sst s0  }
0x9: {  	[smem:$0x3FAF] =	sst s1  }
0xa: {  	[smem:$0x3FB0] =	sst s2  }
0xb: {  	[smem:$0x3FB1] =	sst s3  }
0xc: {  	[smem:$0x3FB2] =	sst s4  }
0xd: {  	[smem:$0x3FB3] =	sst s5  }
0xe: {  	[smem:$0x3FB4] =	sst s6  }
0xf: {  	[smem:$0x3FB5] =	sst s7  }
0x10: {  	[smem:$0x3FB6] =	sst s8  }
0x11: {  	[smem:$0x3FB7] =	sst s9;
	s0 =	simm.s32 @!p0 $0x0  }
0x12: {  	s1 =	sld [smem:$0x3F9D];
	s0 =	simm.s32 @p0 $0x1  }
0x13: {  	[smem:$0x3FB8] =	sst s0;
	s0 =	simm.s32 @!p1 $0x0  }
0x14: {  	s2 =	sld [smem:$0x3F9C];
	s0 =	simm.s32 @p1 $0x1  }
0x15: {  	[smem:$0x3FB9] =	sst s0;
	s0 =	simm.s32 @!p2 $0x0  }
0x16: {  	s3 =	sld [smem:$0x3FDB];
	s0 =	simm.s32 @p2 $0x1  }
0x17: {  	s4 =	simm.s32 $0x1BF5;
	[smem:$0x3FBB] =	sst s0  }
0x18: {  	s0 =	sld [smem:$0x3F9E];
	_ =	swait.ge [sflag:s4], $0x0  }
0x19: {  	s7 =	sld [smem:$0x3F9F]  }
0x1a: {  	s8 =	sadd.s32 $0xFFFFE003, lr  }
0x1b: {  	s9 =	sadd.s32 $0xFFFFFEF7, lr;
	s5 =	simm.s32 $0xFFFFFFFF;
	p2 =	slt.u32 s8, $0xFFFFF086  }
0x1c: {  	p1 =	slt.u32 s9, $0xF7A;
	s5 =	simm.s32 @!p2 $0x0  }
0x1d: {  	s5 =	simm.s32 @p1 $0x1;
	p0 =	seq.s32 s7, s2  }
0x1e: {  	s7 =	smul.u32 @!p0 $0xF7A, s2;
	p2 =	seq.s32 @!p0 s5, $0x0  }
0x1f: {  	s9 =	smul.u32 $0xF7A, s1;
	s8 =	simm.s32 @!p0 $0x1BF5;
	p2 =	por !p2, p0  }
0x20: {  	[sflag:s8] =	ssyncset.s32 @!p0 $0xFFFFF086;
	s6 =	sadd.s32 @!p0 s3, s7;
	s7 =	simm.s32 @!p0 $0x108  }
0x21: {  	s3 =	sadd.s32 s3, s9;
	s6 =	sadd.s32 @!p0 $0x88, s6;
	s7 =	simm.s32 @p2 $0x1082  }
0x22: {  	[simem:s7], [sflag:s8] =	dma.local @!p0 [hbm:s6], $0xF7A  }
0x23: {  	s9 =	sor.u32 $0xD0000000, s2;
	s6 =	simm.s32 $0x108;
	_ =	swait.ge @!p0 [sflag:s8], $0x0  }
0x24: {  	s3 =	sadd.s32 $0x88, s3;
	s6 =	simm.s32 @!p1 $0x1082;
	[sflag:s4] =	ssyncset.s32 $0xFFFFF086  }
0x25: {  	[simem:s6], [sflag:s4] =	dma.local [hbm:s3], $0xF7A  }
0x26: {  	[smem:$0x3F9F] =	sst s1;
	(tag) =	ssettag s2;
	_ =	strace s9  }
0x27: {  	s1 =	sld [smem:$0x3FAF]  }
0x28: {  	s2 =	sld [smem:$0x3FB0]  }
0x29: {  	s4 =	sld [smem:$0x3FB2]  }
0x2a: {  	p0 =	seq.s32 s5, $0x0;
	s5 =	sld [smem:$0x3FB3]  }
0x2b: {  	s6 =	sld [smem:$0x3FB4]  }
0x2c: {  	s7 =	sld [smem:$0x3FB5]  }
0x2d: {  	s3 =	simm.s32 $0x108;
	s8 =	sld [smem:$0x3FB6]  }
0x2e: {  	s3 =	simm.s32 @!p0 $0x1082;
	s9 =	sld [smem:$0x3FB7]  }
0x2f: {  	lr =	sadd.s32 s0, s3;
	s0 =	sld [smem:$0x3FAE]  }
0x30: {  	s3 =	sld [smem:$0x3FB1]  }
0x31: {  	[smem:$0x3FBA] =	sst s10  }
0x32: {  	s10 =	sld [smem:$0x3FB8];
	_ =	sdelay $0x3  }
0x33: {  	p0 =	seq.s32 s10, $0x1;
	s10 =	sld [smem:$0x3FBA];
	_ =	sdelay $0x3  }
0x34: {  	[smem:$0x3FBA] =	sst s10  }
0x35: {  	s10 =	sld [smem:$0x3FB9];
	_ =	sdelay $0x3  }
0x36: {  	p1 =	seq.s32 s10, $0x1;
	s10 =	sld [smem:$0x3FBA];
	_ =	sdelay $0x3  }
0x37: {  	[smem:$0x3FBA] =	sst s10  }
0x38: {  	s10 =	sld [smem:$0x3FBB]  }
0x39: {  	_ = 	snop;
	(pc) =	sbr.ind lr, $3  }
0x3a: {  	_ = 	snop  }
0x3b: {  	_ = 	snop  }
0x3c: {  	p2 =	seq.s32 s10, $0x1;
	s10 =	sld [smem:$0x3FBA]  }
0x3d: {  	_ =	shalt  }
0x3e: {  	_ =	shalt  }
0x3f: {  	_ =	shalt  }
0x40: {  	_ =	shalt  }
0x41: {  	_ =	shalt  }
0x42: {  	_ =	shalt  }
0x43: {  	_ =	shalt  }
0x44: {  	_ =	shalt  }
0x45: {  	_ =	shalt  }
0x46: {  	_ =	shalt  }
0x47: {  	_ =	shalt  }
0x48: {  	_ =	shalt  }
0x49: {  	_ =	shalt  }
0x4a: {  	_ =	shalt  }
0x4b: {  	_ =	shalt  }
0x4c: {  	_ =	shalt  }
0x4d: {  	_ =	shalt  }
0x4e: {  	_ =	shalt  }
0x4f: {  	_ =	shalt  }
0x50: {  	_ =	shalt  }
0x51: {  	_ =	shalt  }
0x52: {  	_ =	shalt  }
0x53: {  	_ =	shalt  }
0x54: {  	_ =	shalt  }
0x55: {  	_ =	shalt  }
0x56: {  	_ =	shalt  }
0x57: {  	_ =	shalt  }
0x58: {  	_ =	shalt  }
0x59: {  	_ =	shalt  }
0x5a: {  	_ =	shalt  }
0x5b: {  	_ =	shalt  }
0x5c: {  	_ =	shalt  }
0x5d: {  	_ =	shalt  }
0x5e: {  	_ =	shalt  }
0x5f: {  	_ =	shalt  }
0x60: {  	_ =	shalt  }
0x61: {  	_ =	shalt  }
0x62: {  	_ =	shalt  }
0x63: {  	_ =	shalt  }
0x64: {  	_ =	shalt  }
0x65: {  	_ =	shalt  }
0x66: {  	_ =	shalt  }
0x67: {  	_ =	shalt  }
0x68: {  	_ =	shalt  }
0x69: {  	_ =	shalt  }
0x6a: {  	_ =	shalt  }
0x6b: {  	_ =	shalt  }
0x6c: {  	_ =	shalt  }
0x6d: {  	_ =	shalt  }
0x6e: {  	_ =	shalt  }
0x6f: {  	_ =	shalt  }
0x70: {  	_ =	shalt  }
0x71: {  	_ =	shalt  }
0x72: {  	_ =	shalt  }
0x73: {  	_ =	shalt  }
0x74: {  	_ =	shalt  }
0x75: {  	_ =	shalt  }
0x76: {  	_ =	shalt  }
0x77: {  	_ =	shalt  }
0x78: {  	_ =	shalt  }
0x79: {  	_ =	shalt  }
0x7a: {  	_ =	shalt  }
0x7b: {  	_ =	shalt  }
0x7c: {  	_ =	shalt  }
0x7d: {  	_ =	shalt  }
0x7e: {  	_ =	shalt  }
0x7f: {  	_ =	shalt  }
0x80: {  	_ =	shalt  }
0x81: {  	_ =	shalt  }
0x82: {  	_ =	shalt  }
0x83: {  	_ =	shalt  }
0x84: {  	_ =	shalt  }
0x85: {  	_ =	shalt  }
0x86: {  	_ =	shalt  }
0x87: {  	_ =	shalt  }
.Lfunc_end0:
.L_simem_size_0:
called_computation_lowered:
.L_overlay_start_0:
0x88: {  	s2 =	sld [smem:$0x3FD9]  }
0x89: {  	s3 =	sld [smem:$0x3FFE];
	_ =	sdelay $0x1  }
0x8a: {  	s1 =	srdreg.scid  }
0x8b: {  	s0 =	sand.u32 $0x1, s1  }
0x8c: {  	s17 =	sshll.u32 s0, $0xA;
	s2 =	sadd.s32 s3, s2  }
0x8d: {  	s2 =	sadd.s32 s2, s17  }
0x8e: {  	[smem:$0x3FC6] =	sst s2  }
0x8f: {  	_ = 	snop  }
0x90: {  	s2 =	sld [smem:$0x3FC9]  }
0x91: {  	s18 =	sld [smem:$0x3FC8];
	(tm) =	ssettm $0x1  }
0x92: {  	s4 =	sld [smem:$0x3FFB];
	_ =	sdelay $0x3  }
0x93: {  	_ =	strace s4  }
0x94: {  	s4 =	sld [smem:$0x3FFC];
	_ =	sdelay $0x3  }
0x95: {  	_ =	strace s4  }
0x96: {  	s4 =	sld [smem:$0x3FFD];
	_ =	sdelay $0x3  }
0x97: {  	_ =	strace s4  }
0x98: {  	_ =	strace $0x8FFFFFFF  }
0x99: {  	s19 =	sld [smem:$0x3FDB];
	_ =	sdelay $0x1  }
0x9a: {  	s5 =	simm.s32 $_scs_section_size  }
0x9b: {  	s6 =	simm.s32 $_size__tile_overlayer_lowered;
	s7 =	simm.s32 $_tile_overlayer_lowered  }
0x9c: {  	s22 =	simm.s32 $0x1BFF;
	s21 =	sshll.u32 s7, $0x1;
	s4 =	sadd.s32 s5, s19  }
0x9d: {  	s8 =	simm.s32 $0x0;
	s20 =	sshll.u32 s6, $0x1;
	s6 =	sadd.s32 s21, s4  }
0x9e: {  	[timem:s8], [sflag:s22] =	dma.local [hbm:s6], s20  }
0x9f: {  	_ =	swait.ge [sflag:s22], s20  }
0xa0: {  	s5 =	ssub.s32 $0x0, s20;
	[sflag:s22] =	ssyncset.done $0x0  }
0xa1: {  	[sflag:s22] =	ssyncadd.s32 s5;
	_ =	sdelay $0x1  }
0xa2: {  	s23 =	simm.s32 $0x1B8B  }
0xa3: {  	_ =	swait.ge [sflag:s23], $0x1  }
0xa4: {  	[sflag:s23] =	ssyncset.done $0x0  }
0xa5: {  	s25 =	simm.s32 $0x1B8E;
	s24 =	sld [smem:$0x3FFE];
	[sflag:s23] =	ssyncadd.s32 $0xFFFFFFFF  }
0xa6: {  	s26 =	simm.s32 $execute0_lowered;
	[smem:$0x3FD2] =	sst s25  }
0xa7: {  	s6 =	sshll.u32 s26, $0x1;
	_ =	strace $0x80000046;
	[dreg:$0x1] =	wrdreg $0xFFFFFFFF  }
0xa8: {  	s28 =	simm.s32 $_size_execute0_lowered;
	s4 =	sadd.s32 s4, s6;
	[dreg:$0x0] =	wrdreg $0x0  }
0xa9: {  	s6 =	sshll.u32 s28, $0x1;
	[dreg:$0x2] =	wrdreg s4  }
0xaa: {  	[dreg:$0x3] =	wrdreg s6  }
0xab: {  	[dreg:$0x4] =	wrdreg $0xC0  }
0xac: {  	_ =	task [dreg:s8], $0x5FFFF  }
0xad: {  	[dreg:$0x1] =	wrdreg $0xFFFFFFFF  }
0xae: {  	[dreg:$0x0] =	wrdreg $0x60  }
0xaf: {  	[dreg:$0x2] =	wrdreg s2  }
0xb0: {  	[dreg:$0x3] =	wrdreg s18  }
0xb1: {  	[dreg:$0x4] =	wrdreg s24  }
0xb2: {  	[dreg:$0x5] =	wrdreg $0x9  }
0xb3: {  	_ =	task.clear_ibuf [dreg:s8], $0x6FFFF;
	_ =	strace $0x90000046  }
0xb4: {  	s29 =	simm.s32 $0x9;
	_ =	strace $0x80000048  }
0xb5: {  	_ =	swait.ge [sflag:s29], $0x1  }
0xb6: {  	[sflag:s29] =	ssyncadd.s32 $0xFFFFFFFF  }
0xb7: {  	_ =	strace $0x90000048  }
0xb8: {  	_ =	sfence  }
0xb9: {  	s30 =	sld [smem:$0x0];
	_ =	sdelay $0x2  }
0xba: {  	s31 =	sshll.u32 s1, $0xD;
	s1 =	sshrl.u32 s1, $0x2  }
0xbb: {  	s3 =	sand.u32 $0x4000, s31;
	s1 =	sadd.s32 s1, s30  }
0xbc: {  	s0 =	sor.u32 s3, s0;
	s1 =	sshll.u32 s1, $0x11  }
0xbd: {  	s0 =	sor.u32 s1, s0  }
0xbe: {  	s0 =	sadd.s32 $0x8F2B, s0  }
0xbf: {  	[sflag:s0] =	ssyncadd.remote.s32 $0x1  }
0xc0: {  	_ =	sfence.sel $0xFFFF  }
0xc1: {  	[dreg:$0x0] =	wrdreg $0xFFFFFFFF;
	(pc) =	sbr.abs _section_cstart, $3  }
0xc2: {  	[dreg:$0x1] =	wrdreg $0xFFFFFFFF  }
0xc3: {  	_ =	task.clear_ibuf [dreg:s8], $0x2FFFF;
	_ =	strace $0x9FFFFFFF  }
0xc4: {  	(tm) =	ssettm $0x7FFFFFFF  }
0xc5: {  	_ =	shalt  }
tec
execute0_lowered:
.L_overlay_start_1:
0x0: {  	(tag) =	ssettag $0x1  }
0x1: {  	s5 =	rddreg [dreg:$0x0]  }
0x2: {  	s2 =	rddreg [dreg:$0x1]  }
0x3: {  	s4 =	rddreg [dreg:$0x2];
	s3 =	srdreg.scid  }
0x4: {  	s0 =	rddreg [dreg:$0x3];
	s1 =	stileid.u32;
	s11 =	simm.s32 $0x2  }
0x5: {  	s12 =	simm.s32 $0x1;
	s13 =	simm.s32 $0xA00;
	s14 =	simm.s32 $0x8A00  }
0x6: {  	s15 =	simm.s32 $0x0;
	s6 =	sand.u32 $0x1, s3;
	s3 =	simm.s32 $0x0  }
0x7: {  	s7 =	sshll.u32 s1, $0xA;
	s10 =	sadd.s32 $0x400, s4;
	s8 =	sshll.u32 s6, $0x9  }
0x8: {  	[smem:$0x7FF] =	sst s3;
	s6 =	ssub.s32 $0x2, s6;
	s7 =	sor.u32 s8, s7  }
0x9: {  	_ =	strace $0x80000047;
	s28 =	sshrl.u32 s6, $0x1;
	s9 =	sor.u32 $0x100, s7  }
0xa: {  	s8 =	ssub.s32 s6, s28;
	s30 =	sshrl.u32 s7, $0x3;
	s7 =	sshll.u32 s7, $0x4  }
0xb: {  	s29 =	sshrl.u32 s9, $0x3;
	s6 =	sadd.s32 s10, s7;
	s31 =	sshll.u32 s9, $0x4  }
0xc: {  	v1 =	vlaneseq.u32;
	s8 =	smax.u32 s8, $0x1;
	s9 =	simm.s32 $0x200;
	s4 =	sadd.s32 s5, s29  }
0xd: {  	v0 =	vimm.s32 $0x0;
	v1 =	vmul.u32 $0x80, v1;
	s5 =	sadd.s32 s5, s30;
	s7 =	sadd.s32 s10, s31;
	s10 =	simm.s32 $0x100  }
.LBB2_1:
0xe: {  	[tilespmem:s9], [sflag:$0x1] =	stream.linear.gather [hbm4b:s2+s3], $0x480, $0x38;
	[tilespmem:$0x10A00] =	vst v63  }
0xf: {  	_ = 	snop  }
0x10: {  	[tilespmem:s10], [sflag:$0x1] =	stream.linear.gather [hbm4b:s4+s3], $0x100, $0x38;
	[tilespmem:$0x10A00] =	vst v63  }
0x11: {  	_ = 	snop  }
0x12: {  	[tilespmem:s3], [sflag:$0x2] =	stream.linear.gather [hbm4b:s5+s3], $0x100, $0x38;
	[tilespmem:$0x10A00] =	vst v63  }
0x13: {  	_ =	swait.ge [sflag:s11], $0x100  }
0x14: {  	[sflag:s11] =	ssyncset.done $0x0  }
0x15: {  	[sflag:s11] =	ssyncadd.s32 $0xFFFFFF00  }
0x16: {  	_ =	swait.ge [sflag:s12], $0x480  }
0x17: {  	[sflag:s12] =	ssyncset.done $0x0  }
0x18: {  	s16 =	simm.s32 $0x10;
	[sflag:s12] =	ssyncadd.s32 $0xFFFFFB80  }
0x19: {  	v2 =	vld [tilespmem:s16+$0x0];
	_ =	sdelay $0x4  }
0x1a: {  	vm0 =	vgt.s32 v2, $0x0;
	vm1 =	vgt.s32 v2, $0x1  }
0x1b: {  	vm2 =	vgt.s32 v2, $0x2;
	v3 =	vsel vm0, $0x1, v0;
	v4 =	vsel vm1, $0x1, v0  }
0x1c: {  	vm13 =	vgt.s32 v2, $0x3;
	v5 =	vsel vm2, $0x1, v0;
	v3 =	vadd.s32 v4, v3  }
0x1d: {  	vm14 =	vgt.s32 v2, $0x7;
	v4 =	vsel vm13, $0x1, v0;
	v3 =	vadd.s32 v5, v3  }
0x1e: {  	vm15 =	vgt.s32 v2, $0xF;
	v3 =	vadd.s32 v4, v3;
	v4 =	vsel vm14, $0x1, v0  }
0x1f: {  	vm4 =	vgt.s32 v2, $0x1F;
	v3 =	vadd.s32 v4, v3;
	v4 =	vsel vm15, $0x1, v0  }
0x20: {  	vm5 =	vgt.s32 v2, $0x3F;
	v3 =	vadd.s32 v4, v3;
	v4 =	vsel vm4, $0x1, v0  }
0x21: {  	v2 =	vadd.s32 v4, v3;
	v3 =	vsel vm5, $0x1, v0  }
0x22: {  	v2 =	vadd.s32 v3, v2  }
0x23: {  	v15 =	vshll.u32 v2, $0x7;
	_ =	sdelay $0x2  }
0x24: {  	v2 =	vmov s16  }
0x25: {  	v2 =	vshll.u32 v2, $0x7  }
0x26: {  	v14 =	vor.u32 v1, v2;
	v3 =	vld.idx.msk [tilespmem:v15+s9+$0x0], $0xffff  }
0x27: {  	v4 =	vor.u32 $0x1, v15  }
0x28: {  	v2 =	vld [tilespmem:s16+$0xFFFFFFF0]  }
0x29: {  	s25 =	simm.s32 $0x30  }
0x2a: {  	s28 =	simm.s32 $0x50;
	v23 =	vmov s25  }
0x2b: {  	v42 =	vmov s28;
	v23 =	vshll.u32 v23, $0x7;
	[tilespmem:v14+s13+$0x0] =	vst.idx.msk $0xffff, v3  }
0x2c: {  	v6 =	vor.u32 $0x2, v15;
	v10 =	vor.u32 $0x4, v15;
	v5 =	vor.u32 $0x1, v14;
	v4 =	vld.idx.msk [tilespmem:v4+s9+$0x0], $0xffff  }
0x2d: {  	v32 =	vor.u32 $0xA, v15;
	vm7 =	vgt.s32 v2, $0x1;
	vm8 =	vgt.s32 v2, $0x0  }
0x2e: {  	vm3 =	vgt.s32 v2, $0x2;
	v7 =	vsel vm8, $0x1, v0;
	v8 =	vsel vm7, $0x1, v0  }
0x2f: {  	vm9 =	vgt.s32 v2, $0x3;
	v9 =	vsel vm3, $0x1, v0;
	v7 =	vadd.s32 v8, v7  }
0x30: {  	vm10 =	vgt.s32 v2, $0x7;
	v8 =	vsel vm9, $0x1, v0;
	v7 =	vadd.s32 v9, v7  }
0x31: {  	v59 =	vor.u32 $0xE, v15;
	v9 =	vsel vm10, $0x1, v0;
	v7 =	vadd.s32 v8, v7;
	[tilespmem:v5+s13+$0x0] =	vst.idx.msk $0xffff, v4  }
0x32: {  	vm6 =	vgt.s32 v2, $0xF;
	v5 =	vadd.s32 v9, v7;
	v9 =	vor.u32 $0x2, v14;
	v8 =	vld.idx.msk [tilespmem:v6+s9+$0x0], $0xffff  }
0x33: {  	vm11 =	vgt.s32 v2, $0x1F;
	v3 =	vor.u32 $0x3, v15;
	v4 =	vsel vm6, $0x1, v0  }
0x34: {  	vm12 =	vgt.s32 v2, $0x3F;
	v2 =	vsel vm11, $0x1, v0;
	v4 =	vadd.s32 v4, v5  }
0x35: {  	s17 =	simm.s32 $0x0;
	v63 =	vor.u32 $0xF, v15;
	v11 =	vor.u32 $0x4, v14;
	v2 =	vadd.s32 v2, v4;
	v4 =	vld [tilespmem:s25+$0x0]  }
0x36: {  	v20 =	vor.u32 $0x6, v14;
	v5 =	vmov s17;
	v6 =	vsel vm12, $0x1, v0  }
0x37: {  	v33 =	vor.u32 $0xA, v14;
	v5 =	vshll.u32 v5, $0x7;
	v2 =	vadd.s32 v6, v2;
	[tilespmem:v9+s13+$0x0] =	vst.idx.msk $0xffff, v8  }
0x38: {  	s26 =	simm.s32 $0x20;
	v18 =	vor.u32 v1, v5;
	v17 =	vshll.u32 v2, $0x7;
	v8 =	vor.u32 $0x3, v14;
	v3 =	vld.idx.msk [tilespmem:v3+s9+$0x0], $0xffff  }
0x39: {  	v5 =	vmov s26;
	v2 =	vor.u32 $0x1, v17;
	v9 =	vor.u32 $0x5, v15  }
0x3a: {  	vm13 =	vgt.s32 v4, $0x0;
	vm14 =	vgt.s32 v4, $0x1;
	vm15 =	vgt.s32 v4, $0x2  }
0x3b: {  	vm4 =	vgt.s32 v4, $0x3;
	v12 =	vsel vm13, $0x1, v0;
	v13 =	vsel vm14, $0x1, v0  }
0x3c: {  	vm5 =	vgt.s32 v4, $0x7;
	v16 =	vsel vm15, $0x1, v0;
	v12 =	vadd.s32 v13, v12  }
0x3d: {  	vm6 =	vgt.s32 v4, $0xF;
	v13 =	vsel vm4, $0x1, v0;
	v12 =	vadd.s32 v16, v12;
	v16 =	vld.idx.msk [tilespmem:v17+s9+$0x0], $0xffff;
	[tilespmem:v8+s13+$0x0] =	vst.idx.msk $0xffff, v3  }
0x3e: {  	vm7 =	vgt.s32 v4, $0x1F;
	v3 =	vadd.s32 v13, v12;
	v8 =	vsel vm5, $0x1, v0;
	v10 =	vld.idx.msk [tilespmem:v10+s9+$0x0], $0xffff  }
0x3f: {  	vm8 =	vgt.s32 v4, $0x3F;
	v3 =	vadd.s32 v8, v3;
	v8 =	vsel vm6, $0x1, v0  }
0x40: {  	v4 =	vshll.u32 v5, $0x7;
	v5 =	vld [tilespmem:s25+$0xFFFFFFF0];
	v3 =	vadd.s32 v8, v3;
	v8 =	vsel vm7, $0x1, v0  }
0x41: {  	v62 =	vor.u32 $0x10, v14;
	v3 =	vadd.s32 v8, v3;
	v8 =	vsel vm8, $0x1, v0  }
0x42: {  	v44 =	vor.u32 $0xE, v14;
	v6 =	vor.u32 $0x8, v14;
	[tilespmem:v18+s13+$0x0] =	vst.idx.msk $0xffff, v16;
	v3 =	vadd.s32 v8, v3  }
0x43: {  	v7 =	vor.u32 $0x6, v18;
	v12 =	vor.u32 $0x1, v18;
	v2 =	vld.idx.msk [tilespmem:v2+s9+$0x0], $0xffff;
	v3 =	vshll.u32 v3, $0x7;
	[tilespmem:v11+s13+$0x0] =	vst.idx.msk $0xffff, v10  }
0x44: {  	v22 =	vor.u32 $0x3, v18;
	v41 =	vor.u32 $0x7, v18;
	v11 =	vor.u32 $0x5, v14;
	v9 =	vld.idx.msk [tilespmem:v9+s9+$0x0], $0xffff  }
0x45: {  	v13 =	vor.u32 $0x2, v17;
	vm9 =	vgt.s32 v5, $0xF;
	v10 =	vor.u32 $0x6, v15  }
0x46: {  	vm10 =	vgt.s32 v5, $0x1;
	vm11 =	vgt.s32 v5, $0x2;
	vm12 =	vgt.s32 v5, $0x3F  }
0x47: {  	vm4 =	vgt.s32 v5, $0x0;
	vm13 =	vgt.s32 v5, $0x7;
	vm14 =	vgt.s32 v5, $0x3  }
0x48: {  	v26 =	vsel vm10, $0x1, v0;
	[tilespmem:v12+s13+$0x0] =	vst.idx.msk $0xffff, v2;
	v12 =	vsel vm4, $0x1, v0;
	v2 =	vor.u32 v1, v23;
	v27 =	vld.idx.msk [tilespmem:v3+s9+$0x0], $0xffff  }
0x49: {  	v29 =	vld [tilespmem:s28+$0x0];
	v25 =	vsel vm11, $0x1, v0;
	v21 =	vor.u32 $0x1, v3;
	[tilespmem:v11+s13+$0x0] =	vst.idx.msk $0xffff, v9;
	v9 =	vadd.s32 v26, v12  }
0x4a: {  	vm15 =	vgt.s32 v5, $0x1F;
	v12 =	vsel vm14, $0x1, v0;
	v9 =	vadd.s32 v25, v9;
	v23 =	vld.idx.msk [tilespmem:v10+s9+$0x0], $0xffff  }
0x4b: {  	v8 =	vor.u32 $0x2, v18;
	v13 =	vld.idx.msk [tilespmem:v13+s9+$0x0], $0xffff;
	v5 =	vadd.s32 v12, v9;
	v9 =	vor.u32 $0x7, v15  }
0x4c: {  	v53 =	vor.u32 $0x8, v18;
	v24 =	vor.u32 $0x4, v17;
	v16 =	vor.u32 $0x3, v17  }
0x4d: {  	v46 =	vor.u32 $0x8, v17;
	v38 =	vor.u32 $0x7, v17;
	v4 =	vor.u32 v1, v4;
	[tilespmem:v2+s13+$0x0] =	vst.idx.msk $0xffff, v27  }
0x4e: {  	v56 =	vor.u32 $0x9, v17;
	v31 =	vor.u32 $0x1, v4;
	v12 =	vor.u32 $0x1, v2;
	v21 =	vld.idx.msk [tilespmem:v21+s9+$0x0], $0xffff  }
0x4f: {  	v40 =	vor.u32 $0x3, v4;
	vm5 =	vgt.s32 v29, $0x1;
	[tilespmem:v20+s13+$0x0] =	vst.idx.msk $0xffff, v23;
	v20 =	vor.u32 $0x2, v3  }
0x50: {  	vm6 =	vgt.s32 v29, $0x2;
	v35 =	vsel vm5, $0x1, v0;
	v26 =	vor.u32 $0x7, v14;
	[tilespmem:v8+s13+$0x0] =	vst.idx.msk $0xffff, v13;
	v9 =	vld.idx.msk [tilespmem:v9+s9+$0x0], $0xffff  }
0x51: {  	vm10 =	vgt.s32 v29, $0x1F;
	vm11 =	vgt.s32 v29, $0x3F;
	v27 =	vor.u32 $0x8, v15;
	v16 =	vld.idx.msk [tilespmem:v16+s9+$0x0], $0xffff  }
0x52: {  	v36 =	vsel vm6, $0x1, v0;
	vm7 =	vgt.s32 v29, $0x3;
	vm8 =	vgt.s32 v29, $0x7  }
0x53: {  	v19 =	vor.u32 $0x3, v3;
	v34 =	vor.u32 $0x5, v3;
	v58 =	vor.u32 $0x8, v3;
	[tilespmem:v12+s13+$0x0] =	vst.idx.msk $0xffff, v21  }
0x54: {  	v43 =	vor.u32 $0x9, v3;
	v30 =	vor.u32 $0x2, v2;
	v11 =	vsel vm13, $0x1, v0;
	v20 =	vld.idx.msk [tilespmem:v20+s9+$0x0], $0xffff  }
0x55: {  	vm4 =	vgt.s32 v29, $0x0;
	v10 =	vsel vm9, $0x1, v0;
	v5 =	vadd.s32 v11, v5;
	[tilespmem:v26+s13+$0x0] =	vst.idx.msk $0xffff, v9  }
0x56: {  	v25 =	vor.u32 $0x4, v18;
	v11 =	vsel vm15, $0x1, v0;
	v5 =	vadd.s32 v10, v5;
	[tilespmem:v22+s13+$0x0] =	vst.idx.msk $0xffff, v16;
	v16 =	vld.idx.msk [tilespmem:v27+s9+$0x0], $0xffff  }
0x57: {  	v8 =	vsel vm12, $0x1, v0;
	v5 =	vadd.s32 v11, v5;
	v12 =	vor.u32 $0x9, v15  }
0x58: {  	vm9 =	vgt.s32 v29, $0xF;
	v5 =	vadd.s32 v8, v5;
	v24 =	vld.idx.msk [tilespmem:v24+s9+$0x0], $0xffff;
	v27 =	vsel vm4, $0x1, v0  }
0x59: {  	v13 =	vor.u32 $0x5, v17;
	v5 =	vshll.u32 v5, $0x7;
	v27 =	vadd.s32 v35, v27;
	[tilespmem:v30+s13+$0x0] =	vst.idx.msk $0xffff, v20  }
0x5a: {  	v26 =	vor.u32 $0x3, v2;
	v20 =	vadd.s32 v36, v27;
	v27 =	vsel vm7, $0x1, v0;
	v19 =	vld.idx.msk [tilespmem:v19+s9+$0x0], $0xffff  }
0x5b: {  	v22 =	vor.u32 $0x4, v3;
	v20 =	vadd.s32 v27, v20;
	v27 =	vsel vm8, $0x1, v0;
	[tilespmem:v6+s13+$0x0] =	vst.idx.msk $0xffff, v16  }
0x5c: {  	v21 =	vor.u32 $0x9, v14;
	v6 =	vadd.s32 v27, v20;
	v16 =	vsel vm9, $0x1, v0;
	v12 =	vld.idx.msk [tilespmem:v12+s9+$0x0], $0xffff  }
0x5d: {  	v37 =	vor.u32 $0x6, v2;
	[tilespmem:v25+s13+$0x0] =	vst.idx.msk $0xffff, v24;
	v6 =	vadd.s32 v16, v6;
	v16 =	vsel vm10, $0x1, v0  }
0x5e: {  	v23 =	vor.u32 $0x5, v18;
	v13 =	vld.idx.msk [tilespmem:v13+s9+$0x0], $0xffff;
	v6 =	vadd.s32 v16, v6;
	v16 =	vsel vm11, $0x1, v0  }
0x5f: {  	s29 =	simm.s32 $0x40;
	v55 =	vor.u32 $0x7, v2;
	v25 =	vor.u32 $0x6, v17;
	v6 =	vadd.s32 v16, v6;
	v16 =	vld [tilespmem:s28+$0xFFFFFFF0];
	[tilespmem:v26+s13+$0x0] =	vst.idx.msk $0xffff, v19  }
0x60: {  	v29 =	vor.u32 $0xD, v15;
	v8 =	vmov s29;
	v24 =	vor.u32 $0x4, v2;
	v22 =	vld.idx.msk [tilespmem:v22+s9+$0x0], $0xffff  }
0x61: {  	v10 =	vor.u32 $0x8, v2;
	v11 =	vor.u32 $0x6, v4;
	v8 =	vshll.u32 v8, $0x7;
	v45 =	vld.idx.msk [tilespmem:v5+s9+$0x0], $0xffff;
	[tilespmem:v21+s13+$0x0] =	vst.idx.msk $0xffff, v12  }
0x62: {  	v28 =	vor.u32 $0x1, v5;
	v8 =	vor.u32 v1, v8;
	v9 =	vor.u32 $0x2, v5;
	v32 =	vld.idx.msk [tilespmem:v32+s9+$0x0], $0xffff  }
0x63: {  	v30 =	vor.u32 $0xC, v15;
	v27 =	vor.u32 $0x2, v4;
	[tilespmem:v23+s13+$0x0] =	vst.idx.msk $0xffff, v13;
	v19 =	vor.u32 $0xB, v15  }
0x64: {  	v13 =	vor.u32 $0xB, v14;
	v23 =	vor.u32 $0x5, v2;
	v26 =	vor.u32 $0x3, v5;
	v25 =	vld.idx.msk [tilespmem:v25+s9+$0x0], $0xffff  }
0x65: {  	v6 =	vshll.u32 v6, $0x7;
	v12 =	vor.u32 $0x6, v3;
	vm12 =	vgt.s32 v16, $0xF;
	[tilespmem:v24+s13+$0x0] =	vst.idx.msk $0xffff, v22  }
0x66: {  	[tilespmem:v4+s13+$0x0] =	vst.idx.msk $0xffff, v45;
	vm13 =	vgt.s32 v16, $0x1;
	vm14 =	vgt.s32 v16, $0x2;
	vm15 =	vgt.s32 v16, $0x3F;
	v24 =	vld.idx.msk [tilespmem:v34+s9+$0x0], $0xffff  }
0x67: {  	v28 =	vld.idx.msk [tilespmem:v28+s9+$0x0], $0xffff;
	vm8 =	vgt.s32 v16, $0x0;
	vm9 =	vgt.s32 v16, $0x7;
	vm10 =	vgt.s32 v16, $0x3;
	[tilespmem:v33+s13+$0x0] =	vst.idx.msk $0xffff, v32  }
0x68: {  	s31 =	simm.s32 $0x70;
	vm11 =	vgt.s32 v16, $0x1F;
	v48 =	vsel vm8, $0x1, v0;
	v49 =	vsel vm13, $0x1, v0;
	v19 =	vld.idx.msk [tilespmem:v19+s9+$0x0], $0xffff  }
0x69: {  	v45 =	vld [tilespmem:s31+$0x0];
	v47 =	vsel vm14, $0x1, v0;
	v50 =	vsel vm9, $0x1, v0;
	[tilespmem:v7+s13+$0x0] =	vst.idx.msk $0xffff, v25;
	v32 =	vadd.s32 v49, v48  }
0x6a: {  	v7 =	vshll.u32 v42, $0x7;
	v52 =	vsel vm10, $0x1, v0;
	v51 =	vld.idx.msk [tilespmem:v38+s9+$0x0], $0xffff;
	v25 =	vadd.s32 v47, v32  }
0x6b: {  	v16 =	vld.idx.msk [tilespmem:v6+s9+$0x0], $0xffff;
	v7 =	vor.u32 v1, v7;
	v25 =	vadd.s32 v52, v25;
	[tilespmem:v23+s13+$0x0] =	vst.idx.msk $0xffff, v24  }
0x6c: {  	v39 =	vor.u32 $0x1, v6;
	[tilespmem:v31+s13+$0x0] =	vst.idx.msk $0xffff, v28;
	v25 =	vadd.s32 v50, v25;
	v24 =	vsel vm12, $0x1, v0;
	v31 =	vld.idx.msk [tilespmem:v12+s9+$0x0], $0xffff  }
0x6d: {  	v12 =	vsel vm11, $0x1, v0;
	v24 =	vadd.s32 v24, v25;
	v25 =	vld.idx.msk [tilespmem:v9+s9+$0x0], $0xffff;
	[tilespmem:v13+s13+$0x0] =	vst.idx.msk $0xffff, v19;
	v13 =	vor.u32 $0x7, v3  }
0x6e: {  	v21 =	vor.u32 $0xC, v14;
	v9 =	vsel vm15, $0x1, v0;
	v19 =	vadd.s32 v12, v24;
	v30 =	vld.idx.msk [tilespmem:v30+s9+$0x0], $0xffff  }
0x6f: {  	v35 =	vor.u32 $0xD, v3;
	v36 =	vor.u32 $0xA, v5;
	[tilespmem:v41+s13+$0x0] =	vst.idx.msk $0xffff, v51;
	v9 =	vadd.s32 v9, v19  }
0x70: {  	vm4 =	vgt.s32 v45, $0x7;
	vm5 =	vgt.s32 v45, $0xF;
	[tilespmem:v7+s13+$0x0] =	vst.idx.msk $0xffff, v16;
	v16 =	vld.idx.msk [tilespmem:v46+s9+$0x0], $0xffff;
	v9 =	vshll.u32 v9, $0x7  }
0x71: {  	vm6 =	vgt.s32 v45, $0x1F;
	vm7 =	vgt.s32 v45, $0x3F;
	v23 =	vor.u32 $0x1, v7;
	v54 =	vld.idx.msk [tilespmem:v39+s9+$0x0], $0xffff;
	[tilespmem:v37+s13+$0x0] =	vst.idx.msk $0xffff, v31  }
0x72: {  	v20 =	vor.u32 $0x3, v6;
	v28 =	vor.u32 $0x4, v4;
	v57 =	vor.u32 $0x2, v6;
	[tilespmem:v27+s13+$0x0] =	vst.idx.msk $0xffff, v25;
	v25 =	vld.idx.msk [tilespmem:v13+s9+$0x0], $0xffff  }
0x73: {  	vm13 =	vgt.s32 v45, $0x1;
	vm14 =	vgt.s32 v45, $0x2;
	v22 =	vor.u32 $0x4, v5;
	v26 =	vld.idx.msk [tilespmem:v26+s9+$0x0], $0xffff;
	[tilespmem:v21+s13+$0x0] =	vst.idx.msk $0xffff, v30  }
0x74: {  	v61 =	vor.u32 $0x2, v7;
	v34 =	vor.u32 $0x10, v15;
	v31 =	vor.u32 $0xD, v14;
	v29 =	vld.idx.msk [tilespmem:v29+s9+$0x0], $0xffff  }
0x75: {  	v48 =	vor.u32 $0x1, v8;
	v49 =	vor.u32 $0xA, v3;
	v33 =	vor.u32 $0x8, v5;
	[tilespmem:v53+s13+$0x0] =	vst.idx.msk $0xffff, v16;
	v52 =	vld.idx.msk [tilespmem:v9+s9+$0x0], $0xffff  }
0x76: {  	v32 =	vor.u32 $0x5, v4;
	v60 =	vor.u32 $0x1, v9;
	[tilespmem:v23+s13+$0x0] =	vst.idx.msk $0xffff, v54;
	v23 =	vld.idx.msk [tilespmem:v56+s9+$0x0], $0xffff;
	v21 =	vor.u32 $0x9, v18  }
0x77: {  	v47 =	vor.u32 $0x9, v2;
	v41 =	vor.u32 $0x11, v15;
	v38 =	vld.idx.msk [tilespmem:v57+s9+$0x0], $0xffff;
	v30 =	vor.u32 $0xA, v17;
	[tilespmem:v55+s13+$0x0] =	vst.idx.msk $0xffff, v25  }
0x78: {  	v50 =	vor.u32 $0xA, v2;
	v46 =	vor.u32 $0xB, v17;
	vm12 =	vgt.s32 v45, $0x0;
	[tilespmem:v40+s13+$0x0] =	vst.idx.msk $0xffff, v26;
	v26 =	vld.idx.msk [tilespmem:v58+s9+$0x0], $0xffff  }
0x79: {  	vm15 =	vgt.s32 v45, $0x3;
	v24 =	vor.u32 $0x5, v5;
	v12 =	vor.u32 $0x8, v7;
	v22 =	vld.idx.msk [tilespmem:v22+s9+$0x0], $0xffff;
	[tilespmem:v31+s13+$0x0] =	vst.idx.msk $0xffff, v29  }
0x7a: {  	s30 =	simm.s32 $0x60;
	v19 =	vor.u32 $0x11, v14;
	v16 =	vor.u32 $0xE, v17;
	v51 =	vor.u32 $0x2, v9;
	[tilespmem:v8+s13+$0x0] =	vst.idx.msk $0xffff, v52;
	v39 =	vld.idx.msk [tilespmem:v59+s9+$0x0], $0xffff  }
0x7b: {  	v53 =	vor.u32 $0x4, v6;
	v54 =	vor.u32 $0xB, v2;
	v27 =	vmov s30;
	[tilespmem:v21+s13+$0x0] =	vst.idx.msk $0xffff, v23;
	v59 =	vld.idx.msk [tilespmem:v60+s9+$0x0], $0xffff  }
0x7c: {  	v56 =	vor.u32 $0xC, v17;
	v57 =	vor.u32 $0xF, v14;
	[tilespmem:v61+s13+$0x0] =	vst.idx.msk $0xffff, v38;
	v29 =	vor.u32 $0xA, v18;
	v30 =	vld.idx.msk [tilespmem:v30+s9+$0x0], $0xffff  }
0x7d: {  	v21 =	vor.u32 $0x3, v7;
	[tilespmem:v10+s13+$0x0] =	vst.idx.msk $0xffff, v26;
	v10 =	vld.idx.msk [tilespmem:v20+s9+$0x0], $0xffff;
	v20 =	vsel vm12, $0x1, v0;
	v26 =	vsel vm13, $0x1, v0  }
0x7e: {  	v13 =	vor.u32 $0x6, v8;
	[tilespmem:v28+s13+$0x0] =	vst.idx.msk $0xffff, v22;
	v22 =	vld.idx.msk [tilespmem:v43+s9+$0x0], $0xffff;
	v20 =	vadd.s32 v26, v20;
	v26 =	vsel vm14, $0x1, v0  }
0x7f: {  	v27 =	vshll.u32 v27, $0x7;
	v24 =	vld.idx.msk [tilespmem:v24+s9+$0x0], $0xffff;
	[tilespmem:v44+s13+$0x0] =	vst.idx.msk $0xffff, v39;
	v20 =	vadd.s32 v26, v20;
	v26 =	vsel vm15, $0x1, v0  }
0x80: {  	v61 =	vor.u32 $0x3, v9;
	[tilespmem:v48+s13+$0x0] =	vst.idx.msk $0xffff, v59;
	v28 =	vld.idx.msk [tilespmem:v63+s9+$0x0], $0xffff;
	v20 =	vadd.s32 v26, v20;
	v26 =	vsel vm4, $0x1, v0  }
0x81: {  	[tilespmem:v29+s13+$0x0] =	vst.idx.msk $0xffff, v30;
	v30 =	vor.u32 $0x2, v8;
	v52 =	vld.idx.msk [tilespmem:v51+s9+$0x0], $0xffff;
	v20 =	vadd.s32 v26, v20;
	v26 =	vsel vm5, $0x1, v0  }
0x82: {  	v31 =	vor.u32 $0xB, v18;
	[tilespmem:v21+s13+$0x0] =	vst.idx.msk $0xffff, v10;
	v21 =	vld.idx.msk [tilespmem:v46+s9+$0x0], $0xffff;
	v10 =	vadd.s32 v26, v20;
	v26 =	vor.u32 $0x6, v5  }
0x83: {  	v38 =	vor.u32 $0x5, v9;
	v58 =	vor.u32 $0x4, v7;
	v20 =	vsel vm6, $0x1, v0;
	v29 =	vld.idx.msk [tilespmem:v53+s9+$0x0], $0xffff;
	[tilespmem:v47+s13+$0x0] =	vst.idx.msk $0xffff, v22  }
0x84: {  	v25 =	vor.u32 $0xD, v17;
	v10 =	vadd.s32 v20, v10;
	v20 =	vsel vm7, $0x1, v0;
	[tilespmem:v32+s13+$0x0] =	vst.idx.msk $0xffff, v24;
	v60 =	vld.idx.msk [tilespmem:v49+s9+$0x0], $0xffff  }
0x85: {  	v40 =	vor.u32 $0xD, v18;
	v23 =	vor.u32 $0x5, v6;
	v10 =	vadd.s32 v20, v10;
	v20 =	vld [tilespmem:s31+$0xFFFFFFF0];
	[tilespmem:v57+s13+$0x0] =	vst.idx.msk $0xffff, v28  }
0x86: {  	v55 =	vor.u32 $0x5, v7;
	v59 =	vor.u32 $0x7, v4;
	v28 =	vor.u32 $0xB, v3;
	[tilespmem:v30+s13+$0x0] =	vst.idx.msk $0xffff, v52;
	v34 =	vld.idx.msk [tilespmem:v34+s9+$0x0], $0xffff  }
0x87: {  	v63 =	vor.u32 $0x4, v9;
	v51 =	vor.u32 $0x4, v8;
	v53 =	vor.u32 $0x6, v6;
	[tilespmem:v31+s13+$0x0] =	vst.idx.msk $0xffff, v21;
	v26 =	vld.idx.msk [tilespmem:v26+s9+$0x0], $0xffff  }
0x88: {  	v24 =	vor.u32 $0x6, v7;
	v49 =	vor.u32 $0xC, v18;
	v10 =	vshll.u32 v10, $0x7;
	[tilespmem:v58+s13+$0x0] =	vst.idx.msk $0xffff, v29;
	v29 =	vld.idx.msk [tilespmem:v56+s9+$0x0], $0xffff  }
0x89: {  	v57 =	vor.u32 $0x1, v10;
	v39 =	vld.idx.msk [tilespmem:v61+s9+$0x0], $0xffff;
	v21 =	vor.u32 $0xC, v3;
	v58 =	vor.u32 $0x3, v8  }
0x8a: {  	v56 =	vor.u32 $0x7, v5;
	v23 =	vld.idx.msk [tilespmem:v23+s9+$0x0], $0xffff;
	[tilespmem:v50+s13+$0x0] =	vst.idx.msk $0xffff, v60;
	vm8 =	vgt.s32 v20, $0xF;
	vm9 =	vgt.s32 v20, $0x1  }
0x8b: {  	vm10 =	vgt.s32 v20, $0x2;
	vm11 =	vgt.s32 v20, $0x3F;
	v28 =	vld.idx.msk [tilespmem:v28+s9+$0x0], $0xffff;
	[tilespmem:v62+s13+$0x0] =	vst.idx.msk $0xffff, v34;
	v62 =	vmov s31  }
0x8c: {  	vm12 =	vgt.s32 v20, $0x0;
	vm13 =	vgt.s32 v20, $0x7;
	v41 =	vld.idx.msk [tilespmem:v41+s9+$0x0], $0xffff;
	v34 =	vshll.u32 v62, $0x7;
	[tilespmem:v11+s13+$0x0] =	vst.idx.msk $0xffff, v26  }
0x8d: {  	v48 =	vsel vm9, $0x1, v0;
	v50 =	vld.idx.msk [tilespmem:v10+s9+$0x0], $0xffff;
	[tilespmem:v49+s13+$0x0] =	vst.idx.msk $0xffff, v29;
	v29 =	vsel vm12, $0x1, v0;
	v11 =	vor.u32 v1, v34  }
0x8e: {  	vm14 =	vgt.s32 v20, $0x3;
	v30 =	vsel vm10, $0x1, v0;
	[tilespmem:v58+s13+$0x0] =	vst.idx.msk $0xffff, v39;
	v25 =	vld.idx.msk [tilespmem:v25+s9+$0x0], $0xffff;
	v29 =	vadd.s32 v48, v29  }
0x8f: {  	vm15 =	vgt.s32 v20, $0x1F;
	v26 =	vsel vm14, $0x1, v0;
	[tilespmem:v55+s13+$0x0] =	vst.idx.msk $0xffff, v23;
	v23 =	vld.idx.msk [tilespmem:v56+s9+$0x0], $0xffff;
	v20 =	vadd.s32 v30, v29  }
0x90: {  	v61 =	vor.u32 $0x7, v6;
	v49 =	vsel vm13, $0x1, v0;
	v60 =	vld.idx.msk [tilespmem:v53+s9+$0x0], $0xffff;
	[tilespmem:v54+s13+$0x0] =	vst.idx.msk $0xffff, v28;
	v20 =	vadd.s32 v26, v20  }
0x91: {  	v31 =	vor.u32 $0xC, v2;
	v26 =	vsel vm8, $0x1, v0;
	v21 =	vld.idx.msk [tilespmem:v21+s9+$0x0], $0xffff;
	v20 =	vadd.s32 v49, v20;
	[tilespmem:v19+s13+$0x0] =	vst.idx.msk $0xffff, v41  }
0x92: {  	v52 =	vor.u32 $0x12, v15;
	v22 =	vor.u32 $0x3, v10;
	v20 =	vadd.s32 v26, v20;
	v26 =	vld.idx.msk [tilespmem:v63+s9+$0x0], $0xffff;
	[tilespmem:v11+s13+$0x0] =	vst.idx.msk $0xffff, v50  }
0x93: {  	v62 =	vsel vm11, $0x1, v0;
	v39 =	vor.u32 $0xE, v3;
	v30 =	vor.u32 $0x1, v11;
	[tilespmem:v40+s13+$0x0] =	vst.idx.msk $0xffff, v25;
	v53 =	vld.idx.msk [tilespmem:v57+s9+$0x0], $0xffff  }
0x94: {  	v55 =	vor.u32 $0xF, v17;
	v56 =	vor.u32 $0x8, v4;
	v54 =	vor.u32 $0xE, v18;
	[tilespmem:v59+s13+$0x0] =	vst.idx.msk $0xffff, v23;
	v63 =	vld.idx.msk [tilespmem:v16+s9+$0x0], $0xffff  }
0x95: {  	v46 =	vor.u32 $0x2, v11;
	v28 =	vsel vm15, $0x1, v0;
	v59 =	vor.u32 $0x2, v10;
	[tilespmem:v24+s13+$0x0] =	vst.idx.msk $0xffff, v60;
	v24 =	vld.idx.msk [tilespmem:v33+s9+$0x0], $0xffff  }
0x96: {  	v29 =	vor.u32 $0x8, v11;
	v25 =	vor.u32 $0x13, v15;
	v16 =	vadd.s32 v28, v20;
	v34 =	vld.idx.msk [tilespmem:v61+s9+$0x0], $0xffff;
	[tilespmem:v31+s13+$0x0] =	vst.idx.msk $0xffff, v21  }
0x97: {  	v57 =	vor.u32 $0x9, v5;
	v15 =	vadd.s32 v62, v16;
	v31 =	vor.u32 $0x7, v7;
	v61 =	vld.idx.msk [tilespmem:v52+s9+$0x0], $0xffff;
	[tilespmem:v51+s13+$0x0] =	vst.idx.msk $0xffff, v26  }
0x98: {  	v19 =	vor.u32 $0x12, v18;
	v60 =	vor.u32 $0xD, v2;
	v20 =	vshll.u32 v15, $0x7;
	v58 =	vld.idx.msk [tilespmem:v35+s9+$0x0], $0xffff;
	[tilespmem:v30+s13+$0x0] =	vst.idx.msk $0xffff, v53  }
0x99: {  	v41 =	vor.u32 $0xF, v18;
	v62 =	vor.u32 $0x8, v6;
	v32 =	vld.idx.msk [tilespmem:v38+s9+$0x0], $0xffff;
	[tilespmem:v54+s13+$0x0] =	vst.idx.msk $0xffff, v63;
	v63 =	vor.u32 $0x12, v14  }
0x9a: {  	v23 =	vor.u32 $0x13, v14;
	v40 =	vor.u32 $0x9, v4;
	v28 =	vor.u32 $0x5, v8;
	v45 =	vld.idx.msk [tilespmem:v59+s9+$0x0], $0xffff  }
0x9b: {  	v33 =	vor.u32 $0x10, v18;
	v16 =	vor.u32 $0x13, v17;
	v21 =	vor.u32 $0x12, v17;
	[tilespmem:v56+s13+$0x0] =	vst.idx.msk $0xffff, v24;
	v37 =	vld.idx.msk [tilespmem:v55+s9+$0x0], $0xffff  }
0x9c: {  	v15 =	vor.u32 $0x13, v18;
	v26 =	vor.u32 $0x11, v17;
	v38 =	vor.u32 $0x10, v17;
	[tilespmem:v31+s13+$0x0] =	vst.idx.msk $0xffff, v34;
	v35 =	vld.idx.msk [tilespmem:v57+s9+$0x0], $0xffff  }
0x9d: {  	v44 =	vor.u32 $0x1, v20;
	v17 =	vor.u32 v1, v27;
	v24 =	vor.u32 $0x11, v18;
	v42 =	vld.idx.msk [tilespmem:v20+s9+$0x0], $0xffff;
	[tilespmem:v60+s13+$0x0] =	vst.idx.msk $0xffff, v58  }
0x9e: {  	s18 =	simm.s32 $0x90;
	s16 =	simm.s32 $0x6;
	s17 =	simm.s32 $0x90;
	v18 =	vor.u32 $0x11, v3;
	v14 =	vor.u32 $0x11, v2;
	v31 =	vor.u32 $0x6, v17;
	v43 =	vld.idx.msk [tilespmem:v62+s9+$0x0], $0xffff;
	[tilespmem:v63+s13+$0x0] =	vst.idx.msk $0xffff, v61  }
.LBB2_2:
0x9f: {  	s19 =	sadd.s32 $0xFFFFFFF0, s18;
	s16 =	sadd.s32 $0x2, s16;
	v34 =	vor.u32 $0xE, v5;
	v47 =	vld.idx.msk [tilespmem:v39+s9+$0x0], $0xffff;
	v48 =	vor.u32 $0x10, v3;
	v39 =	vor.u32 $0x10, v2;
	v27 =	vmovc v20;
	v30 =	vmovc v4  }
0xa0: {  	v49 =	vor.u32 $0x9, v6;
	v50 =	vor.u32 $0xE, v2;
	v4 =	vmovc v8;
	v8 =	vmovc v17;
	v20 =	vmov s19;
	p0 =	slt.u32 s16, $0xE;
	[tilespmem:v41+s13+$0x0] =	vst.idx.msk $0xffff, v37  }
0xa1: {  	v37 =	vor.u32 $0xF, v3;
	v17 =	vshll.u32 v20, $0x7;
	v20 =	vor.u32 $0xD, v5;
	v38 =	vld.idx.msk [tilespmem:v38+s9+$0x0], $0xffff  }
0xa2: {  	v51 =	vor.u32 $0xF, v2;
	v41 =	vld [tilespmem:s17+$0x0];
	[tilespmem:v40+s13+$0x0] =	vst.idx.msk $0xffff, v35;
	v35 =	vor.u32 $0xB, v5;
	v40 =	vor.u32 $0xC, v5  }
0xa3: {  	v52 =	vor.u32 $0xB, v30;
	[tilespmem:v46+s13+$0x0] =	vst.idx.msk $0xffff, v45;
	v45 =	vor.u32 $0x9, v7;
	v36 =	vld.idx.msk [tilespmem:v36+s9+$0x0], $0xffff;
	v46 =	vor.u32 $0xA, v30  }
0xa4: {  	v54 =	vor.u32 $0xA, v7;
	v53 =	vor.u32 $0x1, v8;
	v22 =	vld.idx.msk [tilespmem:v22+s9+$0x0], $0xffff;
	[tilespmem:v12+s13+$0x0] =	vst.idx.msk $0xffff, v43;
	v43 =	vor.u32 $0xA, v6;
	v12 =	vmovc v29  }
0xa5: {  	v55 =	vor.u32 $0x3, v11;
	v56 =	vor.u32 $0x5, v10;
	v29 =	vor.u32 $0x2, v27;
	v49 =	vld.idx.msk [tilespmem:v49+s9+$0x0], $0xffff;
	[tilespmem:v50+s13+$0x0] =	vst.idx.msk $0xffff, v47  }
0xa6: {  	v57 =	vor.u32 $0x6, v9;
	v47 =	vor.u32 $0x4, v10;
	v50 =	vor.u32 $0x4, v11;
	v37 =	vld.idx.msk [tilespmem:v37+s9+$0x0], $0xffff  }
0xa7: {  	vm0 =	vgt.s32 v41, $0x0;
	vm1 =	vgt.s32 v41, $0x1;
	vm2 =	vgt.s32 v41, $0x2;
	[tilespmem:v33+s13+$0x0] =	vst.idx.msk $0xffff, v38;
	v25 =	vld.idx.msk [tilespmem:v25+s9+$0x0], $0xffff  }
0xa8: {  	v33 =	vsel vm0, $0x1, v0;
	v38 =	vsel vm1, $0x1, v0;
	v58 =	vsel vm2, $0x1, v0;
	[tilespmem:v8+s13+$0x0] =	vst.idx.msk $0xffff, v42;
	v26 =	vld.idx.msk [tilespmem:v26+s9+$0x0], $0xffff  }
0xa9: {  	vm0 =	vgt.s32 v41, $0x3;
	vm1 =	vgt.s32 v41, $0xF;
	v33 =	vadd.s32 v38, v33;
	v38 =	vld.idx.msk [tilespmem:v44+s9+$0x0], $0xffff;
	[tilespmem:v46+s13+$0x0] =	vst.idx.msk $0xffff, v36  }
0xaa: {  	v36 =	vsel vm0, $0x1, v0;
	vm0 =	vgt.s32 v41, $0x7;
	v33 =	vadd.s32 v58, v33;
	[tilespmem:v55+s13+$0x0] =	vst.idx.msk $0xffff, v22;
	v22 =	vld.idx.msk [tilespmem:v35+s9+$0x0], $0xffff  }
0xab: {  	v35 =	vsel vm0, $0x1, v0;
	v33 =	vadd.s32 v36, v33;
	v36 =	vor.u32 $0x2, v8;
	v42 =	vld.idx.msk [tilespmem:v47+s9+$0x0], $0xffff;
	[tilespmem:v45+s13+$0x0] =	vst.idx.msk $0xffff, v49  }
0xac: {  	vm0 =	vgt.s32 v41, $0x1F;
	v33 =	vadd.s32 v35, v33;
	v35 =	vsel vm1, $0x1, v0;
	v43 =	vld.idx.msk [tilespmem:v43+s9+$0x0], $0xffff;
	[tilespmem:v51+s13+$0x0] =	vst.idx.msk $0xffff, v37  }
0xad: {  	v33 =	vadd.s32 v35, v33;
	v35 =	vsel vm0, $0x1, v0;
	vm0 =	vgt.s32 v41, $0x3F;
	v37 =	vld.idx.msk [tilespmem:v48+s9+$0x0], $0xffff;
	[tilespmem:v23+s13+$0x0] =	vst.idx.msk $0xffff, v25  }
0xae: {  	v23 =	vld [tilespmem:s17+$0xFFFFFFF0];
	v25 =	vadd.s32 v35, v33;
	v33 =	vsel vm0, $0x1, v0;
	v35 =	vor.u32 $0x3, v27;
	[tilespmem:v24+s13+$0x0] =	vst.idx.msk $0xffff, v26  }
0xaf: {  	v26 =	vor.u32 $0xD, v30;
	v24 =	vadd.s32 v33, v25;
	[tilespmem:v53+s13+$0x0] =	vst.idx.msk $0xffff, v38;
	v25 =	vor.u32 $0xB, v6;
	v21 =	vld.idx.msk [tilespmem:v21+s9+$0x0], $0xffff  }
0xb0: {  	v33 =	vor.u32 $0xD, v6;
	v38 =	vor.u32 $0xC, v30;
	v24 =	vshll.u32 v24, $0x7;
	v29 =	vld.idx.msk [tilespmem:v29+s9+$0x0], $0xffff;
	[tilespmem:v52+s13+$0x0] =	vst.idx.msk $0xffff, v22  }
0xb1: {  	v41 =	vor.u32 $0xC, v6;
	v22 =	vor.u32 $0x3, v24;
	[tilespmem:v50+s13+$0x0] =	vst.idx.msk $0xffff, v42;
	v42 =	vor.u32 $0xC, v7;
	v40 =	vld.idx.msk [tilespmem:v40+s9+$0x0], $0xffff  }
0xb2: {  	v45 =	vor.u32 $0x6, v10;
	v44 =	vld.idx.msk [tilespmem:v56+s9+$0x0], $0xffff;
	[tilespmem:v28+s13+$0x0] =	vst.idx.msk $0xffff, v32;
	v28 =	vor.u32 $0x8, v9;
	v32 =	vor.u32 $0xB, v7  }
0xb3: {  	v46 =	vor.u32 $0x5, v11;
	v47 =	vor.u32 $0x6, v11;
	v49 =	vor.u32 $0x7, v9;
	v48 =	vld.idx.msk [tilespmem:v57+s9+$0x0], $0xffff;
	[tilespmem:v54+s13+$0x0] =	vst.idx.msk $0xffff, v43  }
0xb4: {  	v51 =	vor.u32 $0x7, v4;
	v50 =	vor.u32 $0x3, v8;
	v43 =	vor.u32 $0x1, v24;
	v25 =	vld.idx.msk [tilespmem:v25+s9+$0x0], $0xffff;
	[tilespmem:v39+s13+$0x0] =	vst.idx.msk $0xffff, v37  }
0xb5: {  	vm1 =	vgt.s32 v23, $0xF;
	v37 =	vmov s18;
	v39 =	vor.u32 $0x4, v27;
	v18 =	vld.idx.msk [tilespmem:v18+s9+$0x0], $0xffff;
	[tilespmem:v19+s13+$0x0] =	vst.idx.msk $0xffff, v21  }
0xb6: {  	vm2 =	vgt.s32 v23, $0x1;
	vm3 =	vgt.s32 v23, $0x2;
	vm0 =	vgt.s32 v23, $0x3F;
	[tilespmem:v36+s13+$0x0] =	vst.idx.msk $0xffff, v29;
	v16 =	vld.idx.msk [tilespmem:v16+s9+$0x0], $0xffff  }
0xb7: {  	vm4 =	vgt.s32 v23, $0x0;
	v19 =	vsel vm3, $0x1, v0;
	vm3 =	vgt.s32 v23, $0x7;
	v21 =	vld.idx.msk [tilespmem:v35+s9+$0x0], $0xffff;
	[tilespmem:v38+s13+$0x0] =	vst.idx.msk $0xffff, v40  }
0xb8: {  	v29 =	vsel vm4, $0x1, v0;
	v36 =	vsel vm3, $0x1, v0;
	v35 =	vsel vm2, $0x1, v0;
	[tilespmem:v46+s13+$0x0] =	vst.idx.msk $0xffff, v44;
	v20 =	vld.idx.msk [tilespmem:v20+s9+$0x0], $0xffff  }
0xb9: {  	vm2 =	vgt.s32 v23, $0x1F;
	v29 =	vadd.s32 v35, v29;
	v35 =	vshll.u32 v37, $0x7;
	v37 =	vld.idx.msk [tilespmem:v24+s9+$0x0], $0xffff;
	[tilespmem:v13+s13+$0x0] =	vst.idx.msk $0xffff, v48  }
0xba: {  	vm3 =	vgt.s32 v23, $0x3;
	v19 =	vadd.s32 v19, v29;
	v35 =	vor.u32 v1, v35;
	v13 =	vmovc v31;
	v23 =	vld.idx.msk [tilespmem:v49+s9+$0x0], $0xffff  }
0xbb: {  	v38 =	vor.u32 $0x4, v8;
	v29 =	vsel vm3, $0x1, v0;
	v31 =	vor.u32 $0x1, v35;
	v40 =	vld.idx.msk [tilespmem:v45+s9+$0x0], $0xffff;
	[tilespmem:v32+s13+$0x0] =	vst.idx.msk $0xffff, v25  }
0xbc: {  	v19 =	vadd.s32 v29, v19;
	v25 =	vsel vm1, $0x1, v0;
	v32 =	vor.u32 $0x5, v27;
	v41 =	vld.idx.msk [tilespmem:v41+s9+$0x0], $0xffff;
	[tilespmem:v15+s13+$0x0] =	vst.idx.msk $0xffff, v16  }
0xbd: {  	v15 =	vadd.s32 v36, v19;
	v16 =	vsel vm2, $0x1, v0;
	v19 =	vor.u32 $0x7, v10;
	[tilespmem:v50+s13+$0x0] =	vst.idx.msk $0xffff, v21  }
0xbe: {  	v29 =	vor.u32 $0x8, v35;
	v15 =	vadd.s32 v25, v15;
	v21 =	vsel vm0, $0x1, v0;
	v36 =	vld.idx.msk [tilespmem:v39+s9+$0x0], $0xffff;
	[tilespmem:v26+s13+$0x0] =	vst.idx.msk $0xffff, v20  }
0xbf: {  	[tilespmem:v35+s13+$0x0] =	vst.idx.msk $0xffff, v37;
	v26 =	vld.idx.msk [tilespmem:v34+s9+$0x0], $0xffff;
	v34 =	vor.u32 $0x12, v3  }
0xc0: {  	v25 =	vor.u32 $0x13, v3;
	v15 =	vadd.s32 v16, v15;
	v39 =	vor.u32 $0xE, v30;
	v37 =	vld.idx.msk [tilespmem:v43+s9+$0x0], $0xffff;
	[tilespmem:v51+s13+$0x0] =	vst.idx.msk $0xffff, v23  }
0xc1: {  	v16 =	vor.u32 $0x13, v5;
	v15 =	vadd.s32 v21, v15;
	v21 =	vor.u32 $0xF, v5;
	[tilespmem:v47+s13+$0x0] =	vst.idx.msk $0xffff, v40;
	v40 =	vld.idx.msk [tilespmem:v28+s9+$0x0], $0xffff  }
0xc2: {  	v44 =	vor.u32 $0x8, v4;
	v3 =	vmovc v6;
	v20 =	vshll.u32 v15, $0x7;
	v28 =	vor.u32 $0x5, v8;
	v43 =	vld.idx.msk [tilespmem:v19+s9+$0x0], $0xffff;
	[tilespmem:v42+s13+$0x0] =	vst.idx.msk $0xffff, v41  }
0xc3: {  	v46 =	vor.u32 $0x9, v9;
	v45 =	vor.u32 $0x7, v11;
	v6 =	vmovc v10;
	v15 =	vor.u32 $0x13, v30;
	v47 =	vld.idx.msk [tilespmem:v33+s9+$0x0], $0xffff;
	[tilespmem:v14+s13+$0x0] =	vst.idx.msk $0xffff, v18  }
0xc4: {  	v48 =	vor.u32 $0x2, v24;
	v49 =	vor.u32 $0xD, v7;
	v10 =	vmovc v24;
	v23 =	vor.u32 $0x13, v2;
	[tilespmem:v38+s13+$0x0] =	vst.idx.msk $0xffff, v36;
	v34 =	vld.idx.msk [tilespmem:v34+s9+$0x0], $0xffff  }
0xc5: {  	v50 =	vor.u32 $0x8, v6;
	v51 =	vor.u32 $0x12, v2;
	v2 =	vmovc v7;
	v19 =	vor.u32 $0x12, v30;
	v32 =	vld.idx.msk [tilespmem:v32+s9+$0x0], $0xffff;
	[tilespmem:v39+s13+$0x0] =	vst.idx.msk $0xffff, v26  }
.Ltmp0:
0xc6: {  	v7 =	vmovc v11;
	v39 =	vor.u32 $0xE, v3;
	v26 =	vor.u32 $0x11, v5;
	[tilespmem:v31+s13+$0x0] =	vst.idx.msk $0xffff, v37;
	v37 =	vld.idx.msk [tilespmem:v21+s9+$0x0], $0xffff;
	v21 =	vor.u32 $0x12, v5;
	(pc) =	sbr.rel @p0 .LBB2_2-.Ltmp0, $4  }
0xc7: {  	v24 =	vor.u32 $0x11, v30;
	v11 =	vmovc v35;
	v41 =	vor.u32 $0xF, v30;
	v33 =	vor.u32 $0x10, v30;
	v42 =	vld.idx.msk [tilespmem:v20+s9+$0x0], $0xffff;
	[tilespmem:v44+s13+$0x0] =	vst.idx.msk $0xffff, v40  }
0xc8: {  	v18 =	vor.u32 $0x11, v3;
	v14 =	vor.u32 $0x11, v2;
	v38 =	vor.u32 $0x10, v5;
	v5 =	vmovc v9;
	[tilespmem:v45+s13+$0x0] =	vst.idx.msk $0xffff, v43;
	v35 =	vld.idx.msk [tilespmem:v46+s9+$0x0], $0xffff  }
0xc9: {  	v17 =	vor.u32 v1, v17;
	v40 =	vor.u32 $0x9, v4;
	v36 =	vor.u32 $0xA, v5;
	v45 =	vld.idx.msk [tilespmem:v48+s9+$0x0], $0xffff;
	[tilespmem:v49+s13+$0x0] =	vst.idx.msk $0xffff, v47  }
0xca: {  	s17 =	sadd.s32 $0x20, s17;
	s18 =	sadd.s32 $0x20, s18;
	v31 =	vor.u32 $0x6, v17;
	v9 =	vmovc v27;
	v44 =	vor.u32 $0x1, v20;
	v46 =	vor.u32 $0x2, v11;
	v43 =	vld.idx.msk [tilespmem:v50+s9+$0x0], $0xffff;
	[tilespmem:v51+s13+$0x0] =	vst.idx.msk $0xffff, v34  }
0xcb: {  	_ =	sdelay $0x3  }
0xcc: {  	[tilespmem:v17+s13+$0x0] =	vst.idx.msk $0xffff, v42  }
0xcd: {  	v27 =	vor.u32 $0x1, v17;
	v30 =	vld.idx.msk [tilespmem:v44+s9+$0x0], $0xffff  }
0xce: {  	v34 =	vor.u32 $0x2, v20;
	_ =	sdelay $0x3  }
0xcf: {  	[tilespmem:v27+s13+$0x0] =	vst.idx.msk $0xffff, v30  }
0xd0: {  	v27 =	vor.u32 $0x2, v17;
	v30 =	vld.idx.msk [tilespmem:v34+s9+$0x0], $0xffff  }
0xd1: {  	v51 =	vor.u32 $0x3, v20;
	_ =	sdelay $0x2  }
0xd2: {  	[tilespmem:v46+s13+$0x0] =	vst.idx.msk $0xffff, v45  }
0xd3: {  	v52 =	vor.u32 $0x3, v11;
	v22 =	vld.idx.msk [tilespmem:v22+s9+$0x0], $0xffff;
	[tilespmem:v27+s13+$0x0] =	vst.idx.msk $0xffff, v30  }
0xd4: {  	v27 =	vor.u32 $0x4, v10;
	v30 =	vor.u32 $0x3, v17;
	v34 =	vld.idx.msk [tilespmem:v51+s9+$0x0], $0xffff  }
0xd5: {  	v53 =	vor.u32 $0x4, v20;
	_ =	sdelay $0x2  }
0xd6: {  	[tilespmem:v52+s13+$0x0] =	vst.idx.msk $0xffff, v22  }
0xd7: {  	v22 =	vor.u32 $0x4, v11;
	v27 =	vld.idx.msk [tilespmem:v27+s9+$0x0], $0xffff;
	[tilespmem:v30+s13+$0x0] =	vst.idx.msk $0xffff, v34  }
0xd8: {  	v54 =	vor.u32 $0x4, v17;
	v30 =	vor.u32 $0x5, v10;
	v55 =	vld.idx.msk [tilespmem:v53+s9+$0x0], $0xffff  }
0xd9: {  	v56 =	vor.u32 $0x5, v20;
	_ =	sdelay $0x2  }
0xda: {  	[tilespmem:v22+s13+$0x0] =	vst.idx.msk $0xffff, v27  }
0xdb: {  	v22 =	vor.u32 $0x6, v9;
	v27 =	vld.idx.msk [tilespmem:v30+s9+$0x0], $0xffff;
	v30 =	vor.u32 $0x5, v11;
	[tilespmem:v54+s13+$0x0] =	vst.idx.msk $0xffff, v55  }
0xdc: {  	v57 =	vor.u32 $0x6, v10;
	v58 =	vor.u32 $0x5, v17;
	v44 =	vld.idx.msk [tilespmem:v56+s9+$0x0], $0xffff  }
0xdd: {  	v59 =	vor.u32 $0x6, v20;
	_ =	sdelay $0x1  }
0xde: {  	[tilespmem:v28+s13+$0x0] =	vst.idx.msk $0xffff, v32  }
0xdf: {  	v22 =	vld.idx.msk [tilespmem:v22+s9+$0x0], $0xffff;
	[tilespmem:v30+s13+$0x0] =	vst.idx.msk $0xffff, v27  }
0xe0: {  	v28 =	vor.u32 $0x7, v9;
	v27 =	vor.u32 $0x6, v11;
	v30 =	vld.idx.msk [tilespmem:v57+s9+$0x0], $0xffff;
	[tilespmem:v58+s13+$0x0] =	vst.idx.msk $0xffff, v44  }
0xe1: {  	v60 =	vor.u32 $0x7, v10;
	v61 =	vld.idx.msk [tilespmem:v59+s9+$0x0], $0xffff  }
0xe2: {  	v62 =	vor.u32 $0x7, v20;
	_ =	sdelay $0x1  }
0xe3: {  	[tilespmem:v13+s13+$0x0] =	vst.idx.msk $0xffff, v22  }
0xe4: {  	v13 =	vor.u32 $0x7, v8;
	v22 =	vld.idx.msk [tilespmem:v28+s9+$0x0], $0xffff;
	[tilespmem:v27+s13+$0x0] =	vst.idx.msk $0xffff, v30  }
0xe5: {  	v27 =	vor.u32 $0x8, v9;
	v30 =	vor.u32 $0x7, v11;
	v28 =	vld.idx.msk [tilespmem:v60+s9+$0x0], $0xffff;
	[tilespmem:v31+s13+$0x0] =	vst.idx.msk $0xffff, v61  }
0xe6: {  	v63 =	vor.u32 $0x7, v17;
	v31 =	vor.u32 $0x8, v10;
	v34 =	vld.idx.msk [tilespmem:v62+s9+$0x0], $0xffff  }
0xe7: {  	v45 =	vor.u32 $0x8, v20;
	_ =	sdelay $0x1  }
0xe8: {  	[tilespmem:v13+s13+$0x0] =	vst.idx.msk $0xffff, v22  }
0xe9: {  	v13 =	vor.u32 $0x9, v6;
	v22 =	vld.idx.msk [tilespmem:v27+s9+$0x0], $0xffff;
	v27 =	vor.u32 $0x8, v8;
	[tilespmem:v30+s13+$0x0] =	vst.idx.msk $0xffff, v28  }
0xea: {  	v28 =	vor.u32 $0x9, v9;
	v30 =	vld.idx.msk [tilespmem:v31+s9+$0x0], $0xffff;
	[tilespmem:v63+s13+$0x0] =	vst.idx.msk $0xffff, v34  }
0xeb: {  	v46 =	vor.u32 $0x8, v17;
	v31 =	vor.u32 $0x9, v10;
	v32 =	vld.idx.msk [tilespmem:v45+s9+$0x0], $0xffff  }
0xec: {  	[tilespmem:v41+s13+$0x0] =	vst.idx.msk $0xffff, v37;
	v47 =	vor.u32 $0x9, v20  }
0xed: {  	v39 =	vld.idx.msk [tilespmem:v39+s9+$0x0], $0xffff;
	v48 =	vor.u32 $0xE, v2;
	[tilespmem:v12+s13+$0x0] =	vst.idx.msk $0xffff, v43  }
0xee: {  	v12 =	vor.u32 $0x9, v7;
	v13 =	vld.idx.msk [tilespmem:v13+s9+$0x0], $0xffff;
	[tilespmem:v27+s13+$0x0] =	vst.idx.msk $0xffff, v22  }
0xef: {  	v22 =	vor.u32 $0xA, v6;
	v27 =	vld.idx.msk [tilespmem:v28+s9+$0x0], $0xffff;
	v28 =	vor.u32 $0x9, v8;
	[tilespmem:v29+s13+$0x0] =	vst.idx.msk $0xffff, v30  }
0xf0: {  	v29 =	vor.u32 $0xA, v9;
	v30 =	vor.u32 $0x9, v11;
	v31 =	vld.idx.msk [tilespmem:v31+s9+$0x0], $0xffff;
	[tilespmem:v46+s13+$0x0] =	vst.idx.msk $0xffff, v32  }
0xf1: {  	v49 =	vor.u32 $0xA, v10;
	v50 =	vor.u32 $0x9, v17;
	[tilespmem:v40+s13+$0x0] =	vst.idx.msk $0xffff, v35;
	v34 =	vld.idx.msk [tilespmem:v47+s9+$0x0], $0xffff  }
0xf2: {  	v36 =	vld.idx.msk [tilespmem:v36+s9+$0x0], $0xffff;
	[tilespmem:v48+s13+$0x0] =	vst.idx.msk $0xffff, v39;
	v52 =	vor.u32 $0xA, v20;
	v54 =	vor.u32 $0xA, v4  }
0xf3: {  	v51 =	vld.idx.msk [tilespmem:v38+s9+$0x0], $0xffff;
	[tilespmem:v12+s13+$0x0] =	vst.idx.msk $0xffff, v13;
	v12 =	vor.u32 $0xB, v5  }
0xf4: {  	v13 =	vor.u32 $0xA, v7;
	v22 =	vld.idx.msk [tilespmem:v22+s9+$0x0], $0xffff;
	[tilespmem:v28+s13+$0x0] =	vst.idx.msk $0xffff, v27  }
0xf5: {  	v27 =	vor.u32 $0xB, v6;
	v28 =	vld.idx.msk [tilespmem:v29+s9+$0x0], $0xffff;
	v29 =	vor.u32 $0xA, v8;
	[tilespmem:v30+s13+$0x0] =	vst.idx.msk $0xffff, v31  }
0xf6: {  	v30 =	vor.u32 $0xB, v9;
	v31 =	vor.u32 $0xA, v11;
	v32 =	vld.idx.msk [tilespmem:v49+s9+$0x0], $0xffff;
	[tilespmem:v50+s13+$0x0] =	vst.idx.msk $0xffff, v34  }
0xf7: {  	v55 =	vor.u32 $0xB, v10;
	v56 =	vor.u32 $0xA, v17;
	[tilespmem:v54+s13+$0x0] =	vst.idx.msk $0xffff, v36;
	v34 =	vld.idx.msk [tilespmem:v52+s9+$0x0], $0xffff  }
0xf8: {  	[tilespmem:v33+s13+$0x0] =	vst.idx.msk $0xffff, v51;
	v59 =	vor.u32 $0xB, v20;
	v60 =	vor.u32 $0xB, v4;
	v12 =	vld.idx.msk [tilespmem:v12+s9+$0x0], $0xffff  }
0xf9: {  	v25 =	vld.idx.msk [tilespmem:v25+s9+$0x0], $0xffff;
	[tilespmem:v13+s13+$0x0] =	vst.idx.msk $0xffff, v22;
	v13 =	vor.u32 $0xC, v5  }
0xfa: {  	v22 =	vor.u32 $0xB, v7;
	v27 =	vld.idx.msk [tilespmem:v27+s9+$0x0], $0xffff;
	[tilespmem:v29+s13+$0x0] =	vst.idx.msk $0xffff, v28  }
0xfb: {  	v28 =	vor.u32 $0xC, v6;
	v29 =	vor.u32 $0xB, v8;
	v30 =	vld.idx.msk [tilespmem:v30+s9+$0x0], $0xffff;
	[tilespmem:v31+s13+$0x0] =	vst.idx.msk $0xffff, v32  }
0xfc: {  	v61 =	vor.u32 $0xB, v11;
	v31 =	vor.u32 $0xC, v9;
	v33 =	vld.idx.msk [tilespmem:v55+s9+$0x0], $0xffff;
	[tilespmem:v56+s13+$0x0] =	vst.idx.msk $0xffff, v34  }
0xfd: {  	v62 =	vor.u32 $0xC, v10;
	v63 =	vor.u32 $0xB, v17;
	[tilespmem:v60+s13+$0x0] =	vst.idx.msk $0xffff, v12;
	v36 =	vld.idx.msk [tilespmem:v59+s9+$0x0], $0xffff  }
0xfe: {  	v40 =	vor.u32 $0xC, v4;
	[tilespmem:v23+s13+$0x0] =	vst.idx.msk $0xffff, v25;
	v12 =	vor.u32 $0xC, v20;
	v13 =	vld.idx.msk [tilespmem:v13+s9+$0x0], $0xffff  }
0xff: {  	v26 =	vld.idx.msk [tilespmem:v26+s9+$0x0], $0xffff;
	[tilespmem:v22+s13+$0x0] =	vst.idx.msk $0xffff, v27;
	v22 =	vor.u32 $0xD, v5  }
0x100: {  	v53 =	vor.u32 $0xF, v3;
	v27 =	vor.u32 $0xC, v7;
	v28 =	vld.idx.msk [tilespmem:v28+s9+$0x0], $0xffff;
	[tilespmem:v29+s13+$0x0] =	vst.idx.msk $0xffff, v30  }
0x101: {  	v29 =	vor.u32 $0xD, v6;
	v30 =	vor.u32 $0xC, v8;
	v31 =	vld.idx.msk [tilespmem:v31+s9+$0x0], $0xffff;
	[tilespmem:v61+s13+$0x0] =	vst.idx.msk $0xffff, v33  }
0x102: {  	v41 =	vor.u32 $0xD, v9;
	v42 =	vor.u32 $0xC, v11;
	v34 =	vld.idx.msk [tilespmem:v62+s9+$0x0], $0xffff;
	[tilespmem:v63+s13+$0x0] =	vst.idx.msk $0xffff, v36  }
0x103: {  	v23 =	vor.u32 $0xD, v10;
	v25 =	vor.u32 $0xC, v17;
	[tilespmem:v40+s13+$0x0] =	vst.idx.msk $0xffff, v13;
	v12 =	vld.idx.msk [tilespmem:v12+s9+$0x0], $0xffff  }
0x104: {  	[tilespmem:v24+s13+$0x0] =	vst.idx.msk $0xffff, v26;
	v44 =	vor.u32 $0xD, v4;
	v13 =	vor.u32 $0xD, v20;
	v22 =	vld.idx.msk [tilespmem:v22+s9+$0x0], $0xffff  }
0x105: {  	v57 =	vor.u32 $0xF, v2;
	v58 =	vld.idx.msk [tilespmem:v53+s9+$0x0], $0xffff;
	[tilespmem:v27+s13+$0x0] =	vst.idx.msk $0xffff, v28;
	v27 =	vor.u32 $0xE, v5  }
0x106: {  	v43 =	vor.u32 $0x10, v3;
	v28 =	vld.idx.msk [tilespmem:v29+s9+$0x0], $0xffff;
	v29 =	vor.u32 $0xD, v7;
	[tilespmem:v30+s13+$0x0] =	vst.idx.msk $0xffff, v31  }
0x107: {  	v30 =	vor.u32 $0xE, v6;
	v31 =	vor.u32 $0xD, v8;
	v32 =	vld.idx.msk [tilespmem:v41+s9+$0x0], $0xffff;
	[tilespmem:v42+s13+$0x0] =	vst.idx.msk $0xffff, v34  }
0x108: {  	v45 =	vor.u32 $0xE, v9;
	v46 =	vor.u32 $0xD, v11;
	v23 =	vld.idx.msk [tilespmem:v23+s9+$0x0], $0xffff;
	[tilespmem:v25+s13+$0x0] =	vst.idx.msk $0xffff, v12  }
0x109: {  	v24 =	vor.u32 $0xD, v17;
	[tilespmem:v44+s13+$0x0] =	vst.idx.msk $0xffff, v22;
	v12 =	vor.u32 $0xE, v10;
	v13 =	vld.idx.msk [tilespmem:v13+s9+$0x0], $0xffff  }
0x10a: {  	[tilespmem:v57+s13+$0x0] =	vst.idx.msk $0xffff, v58;
	v47 =	vor.u32 $0xE, v4;
	v22 =	vor.u32 $0xE, v20;
	v27 =	vld.idx.msk [tilespmem:v27+s9+$0x0], $0xffff  }
0x10b: {  	v26 =	vld.idx.msk [tilespmem:v43+s9+$0x0], $0xffff;
	v25 =	vor.u32 $0x10, v2;
	[tilespmem:v29+s13+$0x0] =	vst.idx.msk $0xffff, v28  }
0x10c: {  	v28 =	vor.u32 $0xF, v5;
	v29 =	vld.idx.msk [tilespmem:v30+s9+$0x0], $0xffff;
	v30 =	vor.u32 $0xE, v7;
	[tilespmem:v31+s13+$0x0] =	vst.idx.msk $0xffff, v32  }
0x10d: {  	v48 =	vor.u32 $0xE, v8;
	v31 =	vor.u32 $0xF, v6;
	v32 =	vld.idx.msk [tilespmem:v45+s9+$0x0], $0xffff;
	[tilespmem:v46+s13+$0x0] =	vst.idx.msk $0xffff, v23  }
0x10e: {  	v49 =	vor.u32 $0xE, v11;
	v23 =	vor.u32 $0xF, v9;
	v12 =	vld.idx.msk [tilespmem:v12+s9+$0x0], $0xffff;
	[tilespmem:v24+s13+$0x0] =	vst.idx.msk $0xffff, v13  }
0x10f: {  	[tilespmem:v47+s13+$0x0] =	vst.idx.msk $0xffff, v27;
	v13 =	vor.u32 $0xF, v10;
	v24 =	vor.u32 $0xE, v17;
	v22 =	vld.idx.msk [tilespmem:v22+s9+$0x0], $0xffff  }
0x110: {  	v21 =	vld.idx.msk [tilespmem:v21+s9+$0x0], $0xffff;
	[tilespmem:v25+s13+$0x0] =	vst.idx.msk $0xffff, v26;
	v25 =	vor.u32 $0xF, v20  }
0x111: {  	v27 =	vor.u32 $0xF, v4;
	v26 =	vld.idx.msk [tilespmem:v28+s9+$0x0], $0xffff;
	[tilespmem:v30+s13+$0x0] =	vst.idx.msk $0xffff, v29  }
0x112: {  	v28 =	vor.u32 $0x10, v5;
	v29 =	vor.u32 $0xF, v7;
	v30 =	vld.idx.msk [tilespmem:v31+s9+$0x0], $0xffff;
	[tilespmem:v48+s13+$0x0] =	vst.idx.msk $0xffff, v32  }
0x113: {  	v50 =	vor.u32 $0xF, v8;
	v31 =	vor.u32 $0x10, v6;
	v23 =	vld.idx.msk [tilespmem:v23+s9+$0x0], $0xffff;
	[tilespmem:v49+s13+$0x0] =	vst.idx.msk $0xffff, v12  }
0x114: {  	v51 =	vor.u32 $0xF, v11;
	v12 =	vor.u32 $0x10, v9;
	v13 =	vld.idx.msk [tilespmem:v13+s9+$0x0], $0xffff;
	[tilespmem:v24+s13+$0x0] =	vst.idx.msk $0xffff, v22  }
0x115: {  	[tilespmem:v19+s13+$0x0] =	vst.idx.msk $0xffff, v21;
	v19 =	vor.u32 $0x10, v10;
	v22 =	vor.u32 $0xF, v17;
	v21 =	vld.idx.msk [tilespmem:v25+s9+$0x0], $0xffff  }
0x116: {  	v16 =	vld.idx.msk [tilespmem:v16+s9+$0x0], $0xffff;
	[tilespmem:v27+s13+$0x0] =	vst.idx.msk $0xffff, v26;
	v24 =	vor.u32 $0x10, v20  }
0x117: {  	v26 =	vld.idx.msk [tilespmem:v28+s9+$0x0], $0xffff;
	[tilespmem:v29+s13+$0x0] =	vst.idx.msk $0xffff, v30;
	v25 =	vor.u32 $0x10, v4  }
0x118: {  	v27 =	vor.u32 $0x11, v5;
	v28 =	vor.u32 $0x10, v7;
	v29 =	vld.idx.msk [tilespmem:v31+s9+$0x0], $0xffff;
	[tilespmem:v50+s13+$0x0] =	vst.idx.msk $0xffff, v23  }
0x119: {  	v30 =	vor.u32 $0x10, v8;
	v23 =	vor.u32 $0x11, v6;
	v12 =	vld.idx.msk [tilespmem:v12+s9+$0x0], $0xffff;
	[tilespmem:v51+s13+$0x0] =	vst.idx.msk $0xffff, v13  }
0x11a: {  	v31 =	vor.u32 $0x10, v11;
	v13 =	vor.u32 $0x11, v9;
	v19 =	vld.idx.msk [tilespmem:v19+s9+$0x0], $0xffff;
	[tilespmem:v22+s13+$0x0] =	vst.idx.msk $0xffff, v21  }
0x11b: {  	[tilespmem:v15+s13+$0x0] =	vst.idx.msk $0xffff, v16;
	v15 =	vor.u32 $0x11, v10;
	v16 =	vor.u32 $0x10, v17;
	v21 =	vld.idx.msk [tilespmem:v24+s9+$0x0], $0xffff  }
0x11c: {  	v18 =	vld.idx.msk [tilespmem:v18+s9+$0x0], $0xffff;
	[tilespmem:v25+s13+$0x0] =	vst.idx.msk $0xffff, v26;
	v22 =	vor.u32 $0x11, v20  }
0x11d: {  	v25 =	vor.u32 $0x11, v4;
	[tilespmem:v28+s13+$0x0] =	vst.idx.msk $0xffff, v29;
	v24 =	vor.u32 $0x12, v3;
	v26 =	vld.idx.msk [tilespmem:v27+s9+$0x0], $0xffff  }
0x11e: {  	v28 =	vor.u32 $0x11, v7;
	v27 =	vor.u32 $0x12, v5;
	v23 =	vld.idx.msk [tilespmem:v23+s9+$0x0], $0xffff;
	[tilespmem:v30+s13+$0x0] =	vst.idx.msk $0xffff, v12  }
0x11f: {  	v29 =	vor.u32 $0x11, v8;
	v12 =	vor.u32 $0x12, v6;
	v13 =	vld.idx.msk [tilespmem:v13+s9+$0x0], $0xffff;
	[tilespmem:v31+s13+$0x0] =	vst.idx.msk $0xffff, v19  }
0x120: {  	v30 =	vor.u32 $0x11, v11;
	v19 =	vor.u32 $0x12, v9;
	v15 =	vld.idx.msk [tilespmem:v15+s9+$0x0], $0xffff;
	[tilespmem:v16+s13+$0x0] =	vst.idx.msk $0xffff, v21  }
0x121: {  	[tilespmem:v14+s13+$0x0] =	vst.idx.msk $0xffff, v18;
	v14 =	vor.u32 $0x12, v10;
	v16 =	vor.u32 $0x11, v17;
	v18 =	vld.idx.msk [tilespmem:v22+s9+$0x0], $0xffff  }
0x122: {  	v21 =	vld.idx.msk [tilespmem:v24+s9+$0x0], $0xffff;
	[tilespmem:v25+s13+$0x0] =	vst.idx.msk $0xffff, v26;
	v24 =	vor.u32 $0x12, v20;
	v22 =	vor.u32 $0x12, v2  }
0x123: {  	v3 =	vor.u32 $0x13, v3;
	v25 =	vor.u32 $0x12, v4;
	[tilespmem:v28+s13+$0x0] =	vst.idx.msk $0xffff, v23;
	v26 =	vld.idx.msk [tilespmem:v27+s9+$0x0], $0xffff  }
0x124: {  	v5 =	vor.u32 $0x13, v5;
	v23 =	vor.u32 $0x12, v7;
	v12 =	vld.idx.msk [tilespmem:v12+s9+$0x0], $0xffff;
	[tilespmem:v29+s13+$0x0] =	vst.idx.msk $0xffff, v13  }
0x125: {  	v6 =	vor.u32 $0x13, v6;
	v13 =	vor.u32 $0x12, v8;
	v19 =	vld.idx.msk [tilespmem:v19+s9+$0x0], $0xffff;
	[tilespmem:v30+s13+$0x0] =	vst.idx.msk $0xffff, v15  }
0x126: {  	v9 =	vor.u32 $0x13, v9;
	v15 =	vor.u32 $0x12, v11;
	v14 =	vld.idx.msk [tilespmem:v14+s9+$0x0], $0xffff;
	[tilespmem:v16+s13+$0x0] =	vst.idx.msk $0xffff, v18  }
0x127: {  	v10 =	vor.u32 $0x13, v10;
	[tilespmem:v22+s13+$0x0] =	vst.idx.msk $0xffff, v21;
	v16 =	vor.u32 $0x12, v17;
	v18 =	vld.idx.msk [tilespmem:v24+s9+$0x0], $0xffff  }
0x128: {  	v20 =	vor.u32 $0x13, v20;
	v2 =	vor.u32 $0x13, v2;
	[tilespmem:v25+s13+$0x0] =	vst.idx.msk $0xffff, v26;
	v3 =	vld.idx.msk [tilespmem:v3+s9+$0x0], $0xffff  }
0x129: {  	v4 =	vor.u32 $0x13, v4;
	[tilespmem:v23+s13+$0x0] =	vst.idx.msk $0xffff, v12;
	v5 =	vld.idx.msk [tilespmem:v5+s9+$0x0], $0xffff  }
0x12a: {  	v7 =	vor.u32 $0x13, v7;
	v6 =	vld.idx.msk [tilespmem:v6+s9+$0x0], $0xffff;
	[tilespmem:v13+s13+$0x0] =	vst.idx.msk $0xffff, v19  }
0x12b: {  	v8 =	vor.u32 $0x13, v8;
	v9 =	vld.idx.msk [tilespmem:v9+s9+$0x0], $0xffff;
	[tilespmem:v15+s13+$0x0] =	vst.idx.msk $0xffff, v14  }
0x12c: {  	v11 =	vor.u32 $0x13, v11;
	v10 =	vld.idx.msk [tilespmem:v10+s9+$0x0], $0xffff;
	[tilespmem:v16+s13+$0x0] =	vst.idx.msk $0xffff, v18  }
0x12d: {  	[tilespmem:v2+s13+$0x0] =	vst.idx.msk $0xffff, v3;
	v2 =	vor.u32 $0x13, v17;
	v3 =	vld.idx.msk [tilespmem:v20+s9+$0x0], $0xffff  }
0x12e: {  	[tilespmem:v4+s13+$0x0] =	vst.idx.msk $0xffff, v5  }
0x12f: {  	[tilespmem:v7+s13+$0x0] =	vst.idx.msk $0xffff, v6  }
0x130: {  	[tilespmem:v8+s13+$0x0] =	vst.idx.msk $0xffff, v9  }
0x131: {  	[tilespmem:v11+s13+$0x0] =	vst.idx.msk $0xffff, v10  }
0x132: {  	[tilespmem:v2+s13+$0x0] =	vst.idx.msk $0xffff, v3  }
0x133: {  	_ =	swait.ge [sflag:s12], $0x100  }
0x134: {  	[sflag:s12] =	ssyncset.done $0x0  }
0x135: {  	s16 =	simm.s32 $0x110;
	[sflag:s12] =	ssyncadd.s32 $0xFFFFFF00  }
0x136: {  	[hbm4b:s6+s3] =	stream.linear.scatter [tilespmem:s13], [sflag:$0x1], $0x8000, $0x38;
	[tilespmem:$0x10A00] =	vst v63  }
0x137: {  	v2 =	vld [tilespmem:s16+$0x0];
	_ =	sdelay $0x4  }
0x138: {  	vm0 =	vgt.s32 v2, $0x0;
	vm1 =	vgt.s32 v2, $0x1  }
0x139: {  	vm2 =	vgt.s32 v2, $0x2;
	v3 =	vsel vm0, $0x1, v0;
	v4 =	vsel vm1, $0x1, v0  }
0x13a: {  	vm13 =	vgt.s32 v2, $0x3;
	v5 =	vsel vm2, $0x1, v0;
	v3 =	vadd.s32 v4, v3  }
0x13b: {  	vm14 =	vgt.s32 v2, $0x7;
	v4 =	vsel vm13, $0x1, v0;
	v3 =	vadd.s32 v5, v3  }
0x13c: {  	vm15 =	vgt.s32 v2, $0xF;
	v3 =	vadd.s32 v4, v3;
	v4 =	vsel vm14, $0x1, v0  }
0x13d: {  	vm4 =	vgt.s32 v2, $0x1F;
	v3 =	vadd.s32 v4, v3;
	v4 =	vsel vm15, $0x1, v0  }
0x13e: {  	vm5 =	vgt.s32 v2, $0x3F;
	v3 =	vadd.s32 v4, v3;
	v4 =	vsel vm4, $0x1, v0  }
0x13f: {  	v2 =	vadd.s32 v4, v3;
	v3 =	vsel vm5, $0x1, v0  }
0x140: {  	v2 =	vadd.s32 v3, v2  }
0x141: {  	v15 =	vshll.u32 v2, $0x7;
	_ =	sdelay $0x2  }
0x142: {  	v2 =	vmov s16  }
0x143: {  	v2 =	vshll.u32 v2, $0x7  }
0x144: {  	v14 =	vor.u32 v1, v2;
	v3 =	vld.idx.msk [tilespmem:v15+s9+$0x0], $0xffff  }
0x145: {  	v4 =	vor.u32 $0x1, v15  }
0x146: {  	v2 =	vld [tilespmem:s16+$0xFFFFFFF0];
	_ =	sdelay $0x2  }
0x147: {  	s25 =	simm.s32 $0x130;
	s28 =	simm.s32 $0x150;
	[tilespmem:v14+s13+$0x0] =	vst.idx.msk $0xffff, v3  }
0x148: {  	v63 =	vmov s28;
	v23 =	vmov s25;
	v5 =	vor.u32 $0x1, v14;
	v4 =	vld.idx.msk [tilespmem:v4+s9+$0x0], $0xffff  }
0x149: {  	v6 =	vor.u32 $0x2, v15;
	vm7 =	vgt.s32 v2, $0x1;
	vm8 =	vgt.s32 v2, $0x0  }
0x14a: {  	vm3 =	vgt.s32 v2, $0x2;
	v7 =	vsel vm8, $0x1, v0;
	v8 =	vsel vm7, $0x1, v0  }
0x14b: {  	vm9 =	vgt.s32 v2, $0x3;
	v9 =	vsel vm3, $0x1, v0;
	v7 =	vadd.s32 v8, v7  }
0x14c: {  	vm10 =	vgt.s32 v2, $0x7;
	v8 =	vsel vm9, $0x1, v0;
	v7 =	vadd.s32 v9, v7  }
0x14d: {  	v23 =	vshll.u32 v23, $0x7;
	v9 =	vsel vm10, $0x1, v0;
	v7 =	vadd.s32 v8, v7;
	[tilespmem:v5+s13+$0x0] =	vst.idx.msk $0xffff, v4  }
0x14e: {  	vm6 =	vgt.s32 v2, $0xF;
	v5 =	vadd.s32 v9, v7;
	v9 =	vor.u32 $0x2, v14;
	v8 =	vld.idx.msk [tilespmem:v6+s9+$0x0], $0xffff  }
0x14f: {  	vm11 =	vgt.s32 v2, $0x1F;
	v3 =	vor.u32 $0x3, v15;
	v4 =	vsel vm6, $0x1, v0  }
0x150: {  	vm12 =	vgt.s32 v2, $0x3F;
	v2 =	vsel vm11, $0x1, v0;
	v4 =	vadd.s32 v4, v5  }
0x151: {  	s17 =	simm.s32 $0x100;
	v10 =	vor.u32 $0x4, v15;
	v52 =	vor.u32 $0xA, v15;
	v2 =	vadd.s32 v2, v4;
	v4 =	vld [tilespmem:s25+$0x0]  }
0x152: {  	v41 =	vor.u32 $0x11, v15;
	v5 =	vmov s17;
	v6 =	vsel vm12, $0x1, v0  }
0x153: {  	v11 =	vor.u32 $0x4, v14;
	v5 =	vshll.u32 v5, $0x7;
	v2 =	vadd.s32 v6, v2;
	[tilespmem:v9+s13+$0x0] =	vst.idx.msk $0xffff, v8  }
0x154: {  	s26 =	simm.s32 $0x120;
	v18 =	vor.u32 v1, v5;
	v17 =	vshll.u32 v2, $0x7;
	v8 =	vor.u32 $0x3, v14;
	v3 =	vld.idx.msk [tilespmem:v3+s9+$0x0], $0xffff  }
0x155: {  	v5 =	vmov s26;
	v2 =	vor.u32 $0x1, v17;
	v9 =	vor.u32 $0x5, v15  }
0x156: {  	vm13 =	vgt.s32 v4, $0x0;
	vm14 =	vgt.s32 v4, $0x1;
	vm15 =	vgt.s32 v4, $0x2  }
0x157: {  	vm4 =	vgt.s32 v4, $0x3;
	v12 =	vsel vm13, $0x1, v0;
	v13 =	vsel vm14, $0x1, v0  }
0x158: {  	vm5 =	vgt.s32 v4, $0x7;
	v16 =	vsel vm15, $0x1, v0;
	v12 =	vadd.s32 v13, v12  }
0x159: {  	vm6 =	vgt.s32 v4, $0xF;
	v13 =	vsel vm4, $0x1, v0;
	v12 =	vadd.s32 v16, v12;
	v16 =	vld.idx.msk [tilespmem:v17+s9+$0x0], $0xffff;
	[tilespmem:v8+s13+$0x0] =	vst.idx.msk $0xffff, v3  }
0x15a: {  	vm7 =	vgt.s32 v4, $0x1F;
	v3 =	vadd.s32 v13, v12;
	v8 =	vsel vm5, $0x1, v0;
	v10 =	vld.idx.msk [tilespmem:v10+s9+$0x0], $0xffff  }
0x15b: {  	vm8 =	vgt.s32 v4, $0x3F;
	v3 =	vadd.s32 v8, v3;
	v8 =	vsel vm6, $0x1, v0  }
0x15c: {  	v4 =	vshll.u32 v5, $0x7;
	v5 =	vld [tilespmem:s25+$0xFFFFFFF0];
	v3 =	vadd.s32 v8, v3;
	v8 =	vsel vm7, $0x1, v0  }
0x15d: {  	v34 =	vor.u32 $0x10, v15;
	v3 =	vadd.s32 v8, v3;
	v8 =	vsel vm8, $0x1, v0  }
0x15e: {  	v20 =	vor.u32 $0x6, v14;
	v53 =	vor.u32 $0xA, v14;
	[tilespmem:v18+s13+$0x0] =	vst.idx.msk $0xffff, v16;
	v3 =	vadd.s32 v8, v3  }
0x15f: {  	v36 =	vor.u32 $0x10, v14;
	v12 =	vor.u32 $0x1, v18;
	v2 =	vld.idx.msk [tilespmem:v2+s9+$0x0], $0xffff;
	v3 =	vshll.u32 v3, $0x7;
	[tilespmem:v11+s13+$0x0] =	vst.idx.msk $0xffff, v10  }
0x160: {  	v6 =	vor.u32 $0x8, v14;
	v13 =	vor.u32 $0x2, v17;
	v11 =	vor.u32 $0x5, v14;
	v9 =	vld.idx.msk [tilespmem:v9+s9+$0x0], $0xffff  }
0x161: {  	vm9 =	vgt.s32 v5, $0xF;
	vm10 =	vgt.s32 v5, $0x1;
	v10 =	vor.u32 $0x6, v15  }
0x162: {  	vm11 =	vgt.s32 v5, $0x2;
	vm12 =	vgt.s32 v5, $0x3F;
	vm4 =	vgt.s32 v5, $0x0  }
0x163: {  	vm13 =	vgt.s32 v5, $0x7;
	vm14 =	vgt.s32 v5, $0x3;
	v25 =	vsel vm11, $0x1, v0  }
0x164: {  	v26 =	vsel vm10, $0x1, v0;
	[tilespmem:v12+s13+$0x0] =	vst.idx.msk $0xffff, v2;
	v12 =	vsel vm4, $0x1, v0;
	v2 =	vor.u32 v1, v23;
	v27 =	vld.idx.msk [tilespmem:v3+s9+$0x0], $0xffff  }
0x165: {  	v8 =	vor.u32 $0x2, v18;
	v21 =	vor.u32 $0x1, v3;
	v13 =	vld.idx.msk [tilespmem:v13+s9+$0x0], $0xffff;
	[tilespmem:v11+s13+$0x0] =	vst.idx.msk $0xffff, v9;
	v9 =	vadd.s32 v26, v12  }
0x166: {  	v16 =	vor.u32 $0x3, v17;
	v12 =	vsel vm14, $0x1, v0;
	v9 =	vadd.s32 v25, v9;
	v23 =	vld.idx.msk [tilespmem:v10+s9+$0x0], $0xffff  }
0x167: {  	v29 =	vld [tilespmem:s28+$0x0];
	vm15 =	vgt.s32 v5, $0x1F;
	v5 =	vadd.s32 v12, v9;
	v9 =	vor.u32 $0x7, v15  }
0x168: {  	v7 =	vor.u32 $0x6, v18;
	v22 =	vor.u32 $0x3, v18;
	v62 =	vor.u32 $0x7, v18  }
0x169: {  	v50 =	vor.u32 $0x8, v18;
	v24 =	vor.u32 $0x4, v17;
	v58 =	vor.u32 $0x8, v17;
	[tilespmem:v2+s13+$0x0] =	vst.idx.msk $0xffff, v27  }
0x16a: {  	v60 =	vor.u32 $0x7, v17;
	v4 =	vor.u32 v1, v4;
	v12 =	vor.u32 $0x1, v2;
	[tilespmem:v8+s13+$0x0] =	vst.idx.msk $0xffff, v13;
	v21 =	vld.idx.msk [tilespmem:v21+s9+$0x0], $0xffff  }
0x16b: {  	v37 =	vor.u32 $0xC, v17;
	v31 =	vor.u32 $0x1, v4;
	v16 =	vld.idx.msk [tilespmem:v16+s9+$0x0], $0xffff;
	[tilespmem:v20+s13+$0x0] =	vst.idx.msk $0xffff, v23;
	v20 =	vor.u32 $0x2, v3  }
0x16c: {  	v40 =	vor.u32 $0x3, v4;
	vm5 =	vgt.s32 v29, $0x1;
	v26 =	vor.u32 $0x7, v14;
	v9 =	vld.idx.msk [tilespmem:v9+s9+$0x0], $0xffff  }
0x16d: {  	vm6 =	vgt.s32 v29, $0x2;
	v55 =	vsel vm5, $0x1, v0;
	v27 =	vor.u32 $0x8, v15  }
0x16e: {  	vm10 =	vgt.s32 v29, $0x1F;
	v56 =	vsel vm6, $0x1, v0;
	vm7 =	vgt.s32 v29, $0x3  }
0x16f: {  	vm8 =	vgt.s32 v29, $0x7;
	v19 =	vor.u32 $0x3, v3;
	vm4 =	vgt.s32 v29, $0x0;
	[tilespmem:v12+s13+$0x0] =	vst.idx.msk $0xffff, v21  }
0x170: {  	v30 =	vor.u32 $0x2, v2;
	v11 =	vsel vm13, $0x1, v0;
	v10 =	vsel vm9, $0x1, v0;
	[tilespmem:v22+s13+$0x0] =	vst.idx.msk $0xffff, v16;
	v20 =	vld.idx.msk [tilespmem:v20+s9+$0x0], $0xffff  }
0x171: {  	v25 =	vor.u32 $0x4, v18;
	vm9 =	vgt.s32 v29, $0xF;
	v5 =	vadd.s32 v11, v5;
	v24 =	vld.idx.msk [tilespmem:v24+s9+$0x0], $0xffff;
	[tilespmem:v26+s13+$0x0] =	vst.idx.msk $0xffff, v9  }
0x172: {  	v11 =	vsel vm15, $0x1, v0;
	v13 =	vor.u32 $0x5, v17;
	v5 =	vadd.s32 v10, v5;
	v16 =	vld.idx.msk [tilespmem:v27+s9+$0x0], $0xffff  }
0x173: {  	v8 =	vsel vm12, $0x1, v0;
	v5 =	vadd.s32 v11, v5;
	v12 =	vor.u32 $0x9, v15  }
0x174: {  	v5 =	vadd.s32 v8, v5;
	v23 =	vor.u32 $0x5, v18;
	v27 =	vsel vm4, $0x1, v0  }
0x175: {  	v5 =	vshll.u32 v5, $0x7;
	v21 =	vor.u32 $0x9, v14;
	v27 =	vadd.s32 v55, v27;
	[tilespmem:v30+s13+$0x0] =	vst.idx.msk $0xffff, v20  }
0x176: {  	v26 =	vor.u32 $0x3, v2;
	[tilespmem:v25+s13+$0x0] =	vst.idx.msk $0xffff, v24;
	v20 =	vadd.s32 v56, v27;
	v27 =	vsel vm7, $0x1, v0;
	v19 =	vld.idx.msk [tilespmem:v19+s9+$0x0], $0xffff  }
0x177: {  	v22 =	vor.u32 $0x4, v3;
	v13 =	vld.idx.msk [tilespmem:v13+s9+$0x0], $0xffff;
	v20 =	vadd.s32 v27, v20;
	v27 =	vsel vm8, $0x1, v0;
	[tilespmem:v6+s13+$0x0] =	vst.idx.msk $0xffff, v16  }
0x178: {  	v25 =	vor.u32 $0x6, v17;
	v6 =	vadd.s32 v27, v20;
	v16 =	vsel vm9, $0x1, v0;
	v12 =	vld.idx.msk [tilespmem:v12+s9+$0x0], $0xffff  }
0x179: {  	vm11 =	vgt.s32 v29, $0x3F;
	v6 =	vadd.s32 v16, v6;
	v16 =	vsel vm10, $0x1, v0  }
0x17a: {  	v54 =	vor.u32 $0x5, v3;
	v57 =	vld.idx.msk [tilespmem:v5+s9+$0x0], $0xffff;
	v6 =	vadd.s32 v16, v6;
	v16 =	vsel vm11, $0x1, v0  }
0x17b: {  	s29 =	simm.s32 $0x140;
	v35 =	vor.u32 $0xD, v3;
	v59 =	vor.u32 $0x6, v2;
	v6 =	vadd.s32 v16, v6;
	v16 =	vld [tilespmem:s28+$0xFFFFFFF0];
	[tilespmem:v26+s13+$0x0] =	vst.idx.msk $0xffff, v19  }
0x17c: {  	v8 =	vmov s29;
	v28 =	vor.u32 $0x1, v5;
	v24 =	vor.u32 $0x4, v2;
	[tilespmem:v23+s13+$0x0] =	vst.idx.msk $0xffff, v13;
	v22 =	vld.idx.msk [tilespmem:v22+s9+$0x0], $0xffff  }
0x17d: {  	v29 =	vor.u32 $0xD, v15;
	v10 =	vor.u32 $0x8, v2;
	v8 =	vshll.u32 v8, $0x7;
	v25 =	vld.idx.msk [tilespmem:v25+s9+$0x0], $0xffff;
	[tilespmem:v21+s13+$0x0] =	vst.idx.msk $0xffff, v12  }
0x17e: {  	v11 =	vor.u32 $0x6, v4;
	v8 =	vor.u32 v1, v8;
	v6 =	vshll.u32 v6, $0x7;
	v32 =	vld.idx.msk [tilespmem:v52+s9+$0x0], $0xffff  }
0x17f: {  	v33 =	vor.u32 $0x8, v5;
	v9 =	vor.u32 $0x2, v5;
	v19 =	vor.u32 $0xB, v15  }
0x180: {  	[tilespmem:v4+s13+$0x0] =	vst.idx.msk $0xffff, v57;
	v23 =	vor.u32 $0x5, v2;
	v12 =	vor.u32 $0x6, v3;
	vm12 =	vgt.s32 v16, $0xF  }
0x181: {  	v28 =	vld.idx.msk [tilespmem:v28+s9+$0x0], $0xffff;
	vm13 =	vgt.s32 v16, $0x1;
	vm14 =	vgt.s32 v16, $0x2;
	vm15 =	vgt.s32 v16, $0x3F;
	[tilespmem:v24+s13+$0x0] =	vst.idx.msk $0xffff, v22  }
0x182: {  	vm8 =	vgt.s32 v16, $0x0;
	vm9 =	vgt.s32 v16, $0x7;
	[tilespmem:v7+s13+$0x0] =	vst.idx.msk $0xffff, v25;
	v7 =	vshll.u32 v63, $0x7;
	v24 =	vld.idx.msk [tilespmem:v54+s9+$0x0], $0xffff  }
0x183: {  	vm10 =	vgt.s32 v16, $0x3;
	vm11 =	vgt.s32 v16, $0x1F;
	v16 =	vld.idx.msk [tilespmem:v6+s9+$0x0], $0xffff;
	v7 =	vor.u32 v1, v7;
	[tilespmem:v53+s13+$0x0] =	vst.idx.msk $0xffff, v32  }
0x184: {  	v13 =	vor.u32 $0xB, v14;
	v45 =	vsel vm8, $0x1, v0;
	v46 =	vsel vm13, $0x1, v0;
	v19 =	vld.idx.msk [tilespmem:v19+s9+$0x0], $0xffff  }
0x185: {  	v61 =	vor.u32 $0x1, v6;
	v44 =	vsel vm14, $0x1, v0;
	v48 =	vld.idx.msk [tilespmem:v60+s9+$0x0], $0xffff;
	v32 =	vadd.s32 v46, v45  }
0x186: {  	v55 =	vor.u32 $0x8, v3;
	[tilespmem:v31+s13+$0x0] =	vst.idx.msk $0xffff, v28;
	v49 =	vsel vm10, $0x1, v0;
	v25 =	vadd.s32 v44, v32  }
0x187: {  	v30 =	vor.u32 $0xC, v15;
	v47 =	vsel vm9, $0x1, v0;
	v25 =	vadd.s32 v49, v25;
	[tilespmem:v23+s13+$0x0] =	vst.idx.msk $0xffff, v24  }
0x188: {  	v56 =	vor.u32 $0xE, v15;
	v25 =	vadd.s32 v47, v25;
	[tilespmem:v7+s13+$0x0] =	vst.idx.msk $0xffff, v16;
	v24 =	vsel vm12, $0x1, v0;
	v31 =	vld.idx.msk [tilespmem:v12+s9+$0x0], $0xffff  }
0x189: {  	v27 =	vor.u32 $0x2, v4;
	v24 =	vadd.s32 v24, v25;
	v25 =	vld.idx.msk [tilespmem:v9+s9+$0x0], $0xffff;
	[tilespmem:v13+s13+$0x0] =	vst.idx.msk $0xffff, v19;
	v13 =	vor.u32 $0x7, v3  }
0x18a: {  	v26 =	vor.u32 $0x3, v5;
	v20 =	vor.u32 $0x3, v6;
	[tilespmem:v62+s13+$0x0] =	vst.idx.msk $0xffff, v48;
	v23 =	vor.u32 $0x1, v7;
	v51 =	vld.idx.msk [tilespmem:v61+s9+$0x0], $0xffff  }
0x18b: {  	v21 =	vor.u32 $0xC, v14;
	v54 =	vor.u32 $0x2, v6;
	v16 =	vld.idx.msk [tilespmem:v58+s9+$0x0], $0xffff;
	v12 =	vsel vm11, $0x1, v0  }
0x18c: {  	s31 =	simm.s32 $0x170;
	v53 =	vor.u32 $0x9, v17;
	v9 =	vsel vm15, $0x1, v0;
	v19 =	vadd.s32 v12, v24;
	v30 =	vld.idx.msk [tilespmem:v30+s9+$0x0], $0xffff  }
0x18d: {  	v28 =	vor.u32 $0x4, v4;
	v52 =	vor.u32 $0x7, v2;
	v61 =	vld [tilespmem:s31+$0x0];
	v9 =	vadd.s32 v9, v19;
	[tilespmem:v59+s13+$0x0] =	vst.idx.msk $0xffff, v31  }
0x18e: {  	v63 =	vor.u32 $0xF, v14;
	v22 =	vor.u32 $0x4, v5;
	v9 =	vshll.u32 v9, $0x7;
	[tilespmem:v27+s13+$0x0] =	vst.idx.msk $0xffff, v25;
	v25 =	vld.idx.msk [tilespmem:v13+s9+$0x0], $0xffff  }
0x18f: {  	v60 =	vor.u32 $0xF, v15;
	v57 =	vor.u32 $0x2, v7;
	v32 =	vor.u32 $0x5, v4;
	[tilespmem:v23+s13+$0x0] =	vst.idx.msk $0xffff, v51;
	v26 =	vld.idx.msk [tilespmem:v26+s9+$0x0], $0xffff  }
0x190: {  	v49 =	vor.u32 $0xA, v3;
	v62 =	vor.u32 $0xB, v17;
	v47 =	vor.u32 $0x9, v2;
	[tilespmem:v50+s13+$0x0] =	vst.idx.msk $0xffff, v16;
	v38 =	vld.idx.msk [tilespmem:v54+s9+$0x0], $0xffff  }
0x191: {  	v48 =	vor.u32 $0x1, v8;
	v58 =	vor.u32 $0x9, v3;
	v23 =	vld.idx.msk [tilespmem:v53+s9+$0x0], $0xffff;
	[tilespmem:v21+s13+$0x0] =	vst.idx.msk $0xffff, v30;
	v21 =	vor.u32 $0x9, v18  }
0x192: {  	v24 =	vor.u32 $0x5, v5;
	v31 =	vor.u32 $0xD, v14;
	v30 =	vor.u32 $0xA, v17;
	v29 =	vld.idx.msk [tilespmem:v29+s9+$0x0], $0xffff  }
0x193: {  	v12 =	vor.u32 $0x8, v7;
	v19 =	vor.u32 $0x11, v14;
	v42 =	vor.u32 $0x1, v9;
	[tilespmem:v52+s13+$0x0] =	vst.idx.msk $0xffff, v25;
	v52 =	vld.idx.msk [tilespmem:v9+s9+$0x0], $0xffff  }
0x194: {  	v16 =	vor.u32 $0xE, v17;
	v50 =	vor.u32 $0xA, v2;
	v51 =	vor.u32 $0x2, v9;
	[tilespmem:v40+s13+$0x0] =	vst.idx.msk $0xffff, v26;
	v26 =	vld.idx.msk [tilespmem:v55+s9+$0x0], $0xffff  }
0x195: {  	vm12 =	vgt.s32 v61, $0x0;
	vm13 =	vgt.s32 v61, $0x1;
	vm14 =	vgt.s32 v61, $0x2;
	[tilespmem:v57+s13+$0x0] =	vst.idx.msk $0xffff, v38;
	v22 =	vld.idx.msk [tilespmem:v22+s9+$0x0], $0xffff  }
0x196: {  	vm15 =	vgt.s32 v61, $0x3;
	vm4 =	vgt.s32 v61, $0x7;
	v20 =	vld.idx.msk [tilespmem:v20+s9+$0x0], $0xffff;
	[tilespmem:v21+s13+$0x0] =	vst.idx.msk $0xffff, v23;
	v21 =	vor.u32 $0x3, v7  }
0x197: {  	vm5 =	vgt.s32 v61, $0xF;
	v53 =	vor.u32 $0x4, v6;
	[tilespmem:v31+s13+$0x0] =	vst.idx.msk $0xffff, v29;
	v29 =	vor.u32 $0xA, v18;
	v30 =	vld.idx.msk [tilespmem:v30+s9+$0x0], $0xffff  }
0x198: {  	s30 =	simm.s32 $0x160;
	vm6 =	vgt.s32 v61, $0x1F;
	vm7 =	vgt.s32 v61, $0x3F;
	v59 =	vor.u32 $0xE, v14;
	v39 =	vld.idx.msk [tilespmem:v56+s9+$0x0], $0xffff;
	[tilespmem:v8+s13+$0x0] =	vst.idx.msk $0xffff, v52  }
0x199: {  	v27 =	vmov s30;
	v54 =	vor.u32 $0x7, v4;
	v13 =	vor.u32 $0x6, v8;
	[tilespmem:v10+s13+$0x0] =	vst.idx.msk $0xffff, v26  }
0x19a: {  	v27 =	vshll.u32 v27, $0x7;
	v38 =	vor.u32 $0x5, v9;
	v25 =	vor.u32 $0xD, v17;
	[tilespmem:v28+s13+$0x0] =	vst.idx.msk $0xffff, v22;
	v57 =	vld.idx.msk [tilespmem:v42+s9+$0x0], $0xffff  }
0x19b: {  	v40 =	vor.u32 $0x9, v4;
	v10 =	vsel vm12, $0x1, v0;
	v26 =	vsel vm13, $0x1, v0;
	[tilespmem:v21+s13+$0x0] =	vst.idx.msk $0xffff, v20;
	v22 =	vld.idx.msk [tilespmem:v58+s9+$0x0], $0xffff  }
0x19c: {  	v56 =	vor.u32 $0x4, v7;
	v28 =	vsel vm14, $0x1, v0;
	v10 =	vadd.s32 v26, v10;
	[tilespmem:v29+s13+$0x0] =	vst.idx.msk $0xffff, v30;
	v29 =	vld.idx.msk [tilespmem:v53+s9+$0x0], $0xffff  }
0x19d: {  	v31 =	vor.u32 $0xB, v18;
	v26 =	vsel vm15, $0x1, v0;
	[tilespmem:v59+s13+$0x0] =	vst.idx.msk $0xffff, v39;
	v10 =	vadd.s32 v28, v10;
	v20 =	vld.idx.msk [tilespmem:v62+s9+$0x0], $0xffff  }
0x19e: {  	v23 =	vor.u32 $0x5, v6;
	v28 =	vld.idx.msk [tilespmem:v60+s9+$0x0], $0xffff;
	v10 =	vadd.s32 v26, v10;
	v26 =	vsel vm4, $0x1, v0  }
0x19f: {  	v55 =	vmov s31;
	v24 =	vld.idx.msk [tilespmem:v24+s9+$0x0], $0xffff;
	v10 =	vadd.s32 v26, v10;
	v26 =	vsel vm5, $0x1, v0;
	[tilespmem:v48+s13+$0x0] =	vst.idx.msk $0xffff, v57  }
0x1a0: {  	v21 =	vsel vm6, $0x1, v0;
	v30 =	vor.u32 $0x2, v8;
	v10 =	vadd.s32 v26, v10;
	[tilespmem:v47+s13+$0x0] =	vst.idx.msk $0xffff, v22;
	v61 =	vld.idx.msk [tilespmem:v51+s9+$0x0], $0xffff  }
0x1a1: {  	v26 =	vor.u32 $0x6, v5;
	v10 =	vadd.s32 v21, v10;
	v21 =	vsel vm7, $0x1, v0;
	[tilespmem:v56+s13+$0x0] =	vst.idx.msk $0xffff, v29;
	v58 =	vld.idx.msk [tilespmem:v49+s9+$0x0], $0xffff  }
0x1a2: {  	v52 =	vor.u32 $0xD, v18;
	v59 =	vor.u32 $0x3, v9;
	v10 =	vadd.s32 v21, v10;
	v21 =	vld [tilespmem:s31+$0xFFFFFFF0];
	[tilespmem:v31+s13+$0x0] =	vst.idx.msk $0xffff, v20  }
0x1a3: {  	v53 =	vor.u32 $0x3, v8;
	v48 =	vor.u32 $0x5, v7;
	v23 =	vld.idx.msk [tilespmem:v23+s9+$0x0], $0xffff;
	[tilespmem:v63+s13+$0x0] =	vst.idx.msk $0xffff, v28;
	v28 =	vor.u32 $0xB, v3  }
0x1a4: {  	v62 =	vor.u32 $0x6, v6;
	v60 =	vor.u32 $0xC, v18;
	v10 =	vshll.u32 v10, $0x7;
	v29 =	vld.idx.msk [tilespmem:v37+s9+$0x0], $0xffff  }
0x1a5: {  	[tilespmem:v32+s13+$0x0] =	vst.idx.msk $0xffff, v24;
	v24 =	vor.u32 $0x6, v7;
	v56 =	vor.u32 $0x4, v9;
	v20 =	vor.u32 $0xC, v3;
	v34 =	vld.idx.msk [tilespmem:v34+s9+$0x0], $0xffff  }
0x1a6: {  	v31 =	vor.u32 $0xC, v2;
	v49 =	vor.u32 $0x7, v5;
	v63 =	vor.u32 $0xB, v2;
	v26 =	vld.idx.msk [tilespmem:v26+s9+$0x0], $0xffff;
	[tilespmem:v30+s13+$0x0] =	vst.idx.msk $0xffff, v61  }
0x1a7: {  	v51 =	vor.u32 $0x1, v10;
	[tilespmem:v50+s13+$0x0] =	vst.idx.msk $0xffff, v58;
	vm8 =	vgt.s32 v21, $0xF;
	vm9 =	vgt.s32 v21, $0x1;
	v39 =	vld.idx.msk [tilespmem:v59+s9+$0x0], $0xffff  }
0x1a8: {  	vm10 =	vgt.s32 v21, $0x2;
	vm11 =	vgt.s32 v21, $0x3F;
	vm12 =	vgt.s32 v21, $0x0;
	[tilespmem:v48+s13+$0x0] =	vst.idx.msk $0xffff, v23;
	v28 =	vld.idx.msk [tilespmem:v28+s9+$0x0], $0xffff  }
0x1a9: {  	vm13 =	vgt.s32 v21, $0x7;
	vm14 =	vgt.s32 v21, $0x3;
	v30 =	vsel vm10, $0x1, v0;
	[tilespmem:v60+s13+$0x0] =	vst.idx.msk $0xffff, v29;
	v59 =	vld.idx.msk [tilespmem:v10+s9+$0x0], $0xffff  }
0x1aa: {  	v29 =	vsel vm12, $0x1, v0;
	v57 =	vsel vm9, $0x1, v0;
	[tilespmem:v36+s13+$0x0] =	vst.idx.msk $0xffff, v34;
	v25 =	vld.idx.msk [tilespmem:v25+s9+$0x0], $0xffff;
	v34 =	vshll.u32 v55, $0x7  }
0x1ab: {  	v61 =	vld.idx.msk [tilespmem:v62+s9+$0x0], $0xffff;
	v29 =	vadd.s32 v57, v29;
	[tilespmem:v11+s13+$0x0] =	vst.idx.msk $0xffff, v26;
	v11 =	vor.u32 v1, v34  }
0x1ac: {  	vm15 =	vgt.s32 v21, $0x1F;
	v21 =	vadd.s32 v30, v29;
	v26 =	vsel vm14, $0x1, v0;
	v23 =	vld.idx.msk [tilespmem:v49+s9+$0x0], $0xffff  }
0x1ad: {  	v22 =	vor.u32 $0x3, v10;
	v58 =	vsel vm13, $0x1, v0;
	v41 =	vld.idx.msk [tilespmem:v41+s9+$0x0], $0xffff;
	v21 =	vadd.s32 v26, v21;
	[tilespmem:v63+s13+$0x0] =	vst.idx.msk $0xffff, v28  }
0x1ae: {  	v26 =	vsel vm8, $0x1, v0;
	[tilespmem:v53+s13+$0x0] =	vst.idx.msk $0xffff, v39;
	v37 =	vld.idx.msk [tilespmem:v20+s9+$0x0], $0xffff;
	v20 =	vadd.s32 v58, v21;
	v21 =	vor.u32 $0x7, v6  }
0x1af: {  	v60 =	vor.u32 $0x4, v8;
	[tilespmem:v52+s13+$0x0] =	vst.idx.msk $0xffff, v25;
	v52 =	vor.u32 $0x12, v15;
	v20 =	vadd.s32 v26, v20;
	v26 =	vld.idx.msk [tilespmem:v56+s9+$0x0], $0xffff  }
0x1b0: {  	v62 =	vsel vm11, $0x1, v0;
	v55 =	vor.u32 $0xF, v17;
	v57 =	vor.u32 $0x9, v5;
	[tilespmem:v11+s13+$0x0] =	vst.idx.msk $0xffff, v59;
	v63 =	vld.idx.msk [tilespmem:v16+s9+$0x0], $0xffff  }
0x1b1: {  	v36 =	vor.u32 $0xA, v5;
	v28 =	vsel vm15, $0x1, v0;
	v53 =	vld.idx.msk [tilespmem:v51+s9+$0x0], $0xffff;
	[tilespmem:v54+s13+$0x0] =	vst.idx.msk $0xffff, v23;
	v54 =	vor.u32 $0xE, v18  }
0x1b2: {  	v30 =	vor.u32 $0x1, v11;
	[tilespmem:v24+s13+$0x0] =	vst.idx.msk $0xffff, v61;
	v25 =	vor.u32 $0x13, v15;
	v16 =	vadd.s32 v28, v20;
	v24 =	vld.idx.msk [tilespmem:v33+s9+$0x0], $0xffff  }
0x1b3: {  	v56 =	vor.u32 $0x8, v4;
	[tilespmem:v19+s13+$0x0] =	vst.idx.msk $0xffff, v41;
	v59 =	vor.u32 $0x2, v10;
	v15 =	vadd.s32 v62, v16;
	v34 =	vld.idx.msk [tilespmem:v21+s9+$0x0], $0xffff  }
0x1b4: {  	v29 =	vor.u32 $0x8, v11;
	v20 =	vshll.u32 v15, $0x7;
	[tilespmem:v31+s13+$0x0] =	vst.idx.msk $0xffff, v37;
	v31 =	vor.u32 $0x7, v7;
	v61 =	vld.idx.msk [tilespmem:v52+s9+$0x0], $0xffff  }
0x1b5: {  	v46 =	vor.u32 $0x2, v11;
	v39 =	vor.u32 $0xE, v3;
	v58 =	vld.idx.msk [tilespmem:v35+s9+$0x0], $0xffff;
	[tilespmem:v60+s13+$0x0] =	vst.idx.msk $0xffff, v26;
	v60 =	vor.u32 $0xD, v2  }
0x1b6: {  	v19 =	vor.u32 $0x12, v18;
	v62 =	vor.u32 $0x8, v6;
	v32 =	vld.idx.msk [tilespmem:v38+s9+$0x0], $0xffff;
	[tilespmem:v54+s13+$0x0] =	vst.idx.msk $0xffff, v63;
	v63 =	vor.u32 $0x12, v14  }
0x1b7: {  	v41 =	vor.u32 $0xF, v18;
	v28 =	vor.u32 $0x5, v8;
	v23 =	vor.u32 $0x13, v14;
	[tilespmem:v30+s13+$0x0] =	vst.idx.msk $0xffff, v53;
	v37 =	vld.idx.msk [tilespmem:v55+s9+$0x0], $0xffff  }
0x1b8: {  	v16 =	vor.u32 $0x13, v17;
	v33 =	vor.u32 $0x10, v18;
	v15 =	vor.u32 $0x13, v18;
	[tilespmem:v56+s13+$0x0] =	vst.idx.msk $0xffff, v24;
	v45 =	vld.idx.msk [tilespmem:v59+s9+$0x0], $0xffff  }
0x1b9: {  	v21 =	vor.u32 $0x12, v17;
	v44 =	vor.u32 $0x1, v20;
	v38 =	vor.u32 $0x10, v17;
	v42 =	vld.idx.msk [tilespmem:v20+s9+$0x0], $0xffff;
	[tilespmem:v31+s13+$0x0] =	vst.idx.msk $0xffff, v34  }
0x1ba: {  	v26 =	vor.u32 $0x11, v17;
	v14 =	vor.u32 $0x11, v2;
	v17 =	vor.u32 v1, v27;
	v35 =	vld.idx.msk [tilespmem:v57+s9+$0x0], $0xffff;
	[tilespmem:v60+s13+$0x0] =	vst.idx.msk $0xffff, v58  }
0x1bb: {  	s18 =	simm.s32 $0x190;
	s16 =	simm.s32 $0x16;
	s17 =	simm.s32 $0x190;
	v24 =	vor.u32 $0x11, v18;
	v18 =	vor.u32 $0x11, v3;
	v31 =	vor.u32 $0x6, v17;
	v43 =	vld.idx.msk [tilespmem:v62+s9+$0x0], $0xffff;
	[tilespmem:v63+s13+$0x0] =	vst.idx.msk $0xffff, v61  }
.LBB2_4:
0x1bc: {  	s19 =	sadd.s32 $0xFFFFFFF0, s18;
	s16 =	sadd.s32 $0x2, s16;
	v34 =	vor.u32 $0xE, v5;
	v47 =	vld.idx.msk [tilespmem:v39+s9+$0x0], $0xffff;
	v48 =	vor.u32 $0x10, v3;
	v39 =	vor.u32 $0x10, v2;
	v27 =	vmovc v20;
	v30 =	vmovc v4  }
0x1bd: {  	v49 =	vor.u32 $0x9, v6;
	v50 =	vor.u32 $0xE, v2;
	v4 =	vmovc v8;
	v8 =	vmovc v17;
	v20 =	vmov s19;
	p0 =	slt.u32 s16, $0x1E;
	[tilespmem:v41+s13+$0x0] =	vst.idx.msk $0xffff, v37  }
0x1be: {  	v37 =	vor.u32 $0xF, v3;
	v17 =	vshll.u32 v20, $0x7;
	v20 =	vor.u32 $0xD, v5;
	v38 =	vld.idx.msk [tilespmem:v38+s9+$0x0], $0xffff  }
0x1bf: {  	v51 =	vor.u32 $0xF, v2;
	v41 =	vld [tilespmem:s17+$0x0];
	[tilespmem:v40+s13+$0x0] =	vst.idx.msk $0xffff, v35;
	v35 =	vor.u32 $0xB, v5;
	v40 =	vor.u32 $0xC, v5  }
0x1c0: {  	v52 =	vor.u32 $0xB, v30;
	[tilespmem:v46+s13+$0x0] =	vst.idx.msk $0xffff, v45;
	v45 =	vor.u32 $0x9, v7;
	v36 =	vld.idx.msk [tilespmem:v36+s9+$0x0], $0xffff;
	v46 =	vor.u32 $0xA, v30  }
0x1c1: {  	v54 =	vor.u32 $0xA, v7;
	v53 =	vor.u32 $0x1, v8;
	v22 =	vld.idx.msk [tilespmem:v22+s9+$0x0], $0xffff;
	[tilespmem:v12+s13+$0x0] =	vst.idx.msk $0xffff, v43;
	v43 =	vor.u32 $0xA, v6;
	v12 =	vmovc v29  }
0x1c2: {  	v55 =	vor.u32 $0x3, v11;
	v56 =	vor.u32 $0x5, v10;
	v29 =	vor.u32 $0x2, v27;
	v49 =	vld.idx.msk [tilespmem:v49+s9+$0x0], $0xffff;
	[tilespmem:v50+s13+$0x0] =	vst.idx.msk $0xffff, v47  }
0x1c3: {  	v57 =	vor.u32 $0x6, v9;
	v47 =	vor.u32 $0x4, v10;
	v50 =	vor.u32 $0x4, v11;
	v37 =	vld.idx.msk [tilespmem:v37+s9+$0x0], $0xffff  }
0x1c4: {  	vm0 =	vgt.s32 v41, $0x0;
	vm1 =	vgt.s32 v41, $0x1;
	vm2 =	vgt.s32 v41, $0x2;
	[tilespmem:v33+s13+$0x0] =	vst.idx.msk $0xffff, v38;
	v25 =	vld.idx.msk [tilespmem:v25+s9+$0x0], $0xffff  }
0x1c5: {  	v33 =	vsel vm0, $0x1, v0;
	v38 =	vsel vm1, $0x1, v0;
	v58 =	vsel vm2, $0x1, v0;
	[tilespmem:v8+s13+$0x0] =	vst.idx.msk $0xffff, v42;
	v26 =	vld.idx.msk [tilespmem:v26+s9+$0x0], $0xffff  }
0x1c6: {  	vm0 =	vgt.s32 v41, $0x3;
	vm1 =	vgt.s32 v41, $0xF;
	v33 =	vadd.s32 v38, v33;
	v38 =	vld.idx.msk [tilespmem:v44+s9+$0x0], $0xffff;
	[tilespmem:v46+s13+$0x0] =	vst.idx.msk $0xffff, v36  }
0x1c7: {  	v36 =	vsel vm0, $0x1, v0;
	vm0 =	vgt.s32 v41, $0x7;
	v33 =	vadd.s32 v58, v33;
	[tilespmem:v55+s13+$0x0] =	vst.idx.msk $0xffff, v22;
	v22 =	vld.idx.msk [tilespmem:v35+s9+$0x0], $0xffff  }
0x1c8: {  	v35 =	vsel vm0, $0x1, v0;
	v33 =	vadd.s32 v36, v33;
	v36 =	vor.u32 $0x2, v8;
	v42 =	vld.idx.msk [tilespmem:v47+s9+$0x0], $0xffff;
	[tilespmem:v45+s13+$0x0] =	vst.idx.msk $0xffff, v49  }
0x1c9: {  	vm0 =	vgt.s32 v41, $0x1F;
	v33 =	vadd.s32 v35, v33;
	v35 =	vsel vm1, $0x1, v0;
	v43 =	vld.idx.msk [tilespmem:v43+s9+$0x0], $0xffff;
	[tilespmem:v51+s13+$0x0] =	vst.idx.msk $0xffff, v37  }
0x1ca: {  	v33 =	vadd.s32 v35, v33;
	v35 =	vsel vm0, $0x1, v0;
	vm0 =	vgt.s32 v41, $0x3F;
	v37 =	vld.idx.msk [tilespmem:v48+s9+$0x0], $0xffff;
	[tilespmem:v23+s13+$0x0] =	vst.idx.msk $0xffff, v25  }
0x1cb: {  	v23 =	vld [tilespmem:s17+$0xFFFFFFF0];
	v25 =	vadd.s32 v35, v33;
	v33 =	vsel vm0, $0x1, v0;
	v35 =	vor.u32 $0x3, v27;
	[tilespmem:v24+s13+$0x0] =	vst.idx.msk $0xffff, v26  }
0x1cc: {  	v26 =	vor.u32 $0xD, v30;
	v24 =	vadd.s32 v33, v25;
	[tilespmem:v53+s13+$0x0] =	vst.idx.msk $0xffff, v38;
	v25 =	vor.u32 $0xB, v6;
	v21 =	vld.idx.msk [tilespmem:v21+s9+$0x0], $0xffff  }
0x1cd: {  	v33 =	vor.u32 $0xD, v6;
	v38 =	vor.u32 $0xC, v30;
	v24 =	vshll.u32 v24, $0x7;
	v29 =	vld.idx.msk [tilespmem:v29+s9+$0x0], $0xffff;
	[tilespmem:v52+s13+$0x0] =	vst.idx.msk $0xffff, v22  }
0x1ce: {  	v41 =	vor.u32 $0xC, v6;
	v22 =	vor.u32 $0x3, v24;
	[tilespmem:v50+s13+$0x0] =	vst.idx.msk $0xffff, v42;
	v42 =	vor.u32 $0xC, v7;
	v40 =	vld.idx.msk [tilespmem:v40+s9+$0x0], $0xffff  }
0x1cf: {  	v45 =	vor.u32 $0x6, v10;
	v44 =	vld.idx.msk [tilespmem:v56+s9+$0x0], $0xffff;
	[tilespmem:v28+s13+$0x0] =	vst.idx.msk $0xffff, v32;
	v28 =	vor.u32 $0x8, v9;
	v32 =	vor.u32 $0xB, v7  }
0x1d0: {  	v46 =	vor.u32 $0x5, v11;
	v47 =	vor.u32 $0x6, v11;
	v49 =	vor.u32 $0x7, v9;
	v48 =	vld.idx.msk [tilespmem:v57+s9+$0x0], $0xffff;
	[tilespmem:v54+s13+$0x0] =	vst.idx.msk $0xffff, v43  }
0x1d1: {  	v51 =	vor.u32 $0x7, v4;
	v50 =	vor.u32 $0x3, v8;
	v43 =	vor.u32 $0x1, v24;
	v25 =	vld.idx.msk [tilespmem:v25+s9+$0x0], $0xffff;
	[tilespmem:v39+s13+$0x0] =	vst.idx.msk $0xffff, v37  }
0x1d2: {  	vm1 =	vgt.s32 v23, $0xF;
	v37 =	vmov s18;
	v39 =	vor.u32 $0x4, v27;
	v18 =	vld.idx.msk [tilespmem:v18+s9+$0x0], $0xffff;
	[tilespmem:v19+s13+$0x0] =	vst.idx.msk $0xffff, v21  }
0x1d3: {  	vm2 =	vgt.s32 v23, $0x1;
	vm3 =	vgt.s32 v23, $0x2;
	vm0 =	vgt.s32 v23, $0x3F;
	[tilespmem:v36+s13+$0x0] =	vst.idx.msk $0xffff, v29;
	v16 =	vld.idx.msk [tilespmem:v16+s9+$0x0], $0xffff  }
0x1d4: {  	vm4 =	vgt.s32 v23, $0x0;
	v19 =	vsel vm3, $0x1, v0;
	vm3 =	vgt.s32 v23, $0x7;
	v21 =	vld.idx.msk [tilespmem:v35+s9+$0x0], $0xffff;
	[tilespmem:v38+s13+$0x0] =	vst.idx.msk $0xffff, v40  }
0x1d5: {  	v29 =	vsel vm4, $0x1, v0;
	v36 =	vsel vm3, $0x1, v0;
	v35 =	vsel vm2, $0x1, v0;
	[tilespmem:v46+s13+$0x0] =	vst.idx.msk $0xffff, v44;
	v20 =	vld.idx.msk [tilespmem:v20+s9+$0x0], $0xffff  }
0x1d6: {  	vm2 =	vgt.s32 v23, $0x1F;
	v29 =	vadd.s32 v35, v29;
	v35 =	vshll.u32 v37, $0x7;
	v37 =	vld.idx.msk [tilespmem:v24+s9+$0x0], $0xffff;
	[tilespmem:v13+s13+$0x0] =	vst.idx.msk $0xffff, v48  }
0x1d7: {  	vm3 =	vgt.s32 v23, $0x3;
	v19 =	vadd.s32 v19, v29;
	v35 =	vor.u32 v1, v35;
	v13 =	vmovc v31;
	v23 =	vld.idx.msk [tilespmem:v49+s9+$0x0], $0xffff  }
0x1d8: {  	v38 =	vor.u32 $0x4, v8;
	v29 =	vsel vm3, $0x1, v0;
	v31 =	vor.u32 $0x1, v35;
	v40 =	vld.idx.msk [tilespmem:v45+s9+$0x0], $0xffff;
	[tilespmem:v32+s13+$0x0] =	vst.idx.msk $0xffff, v25  }
0x1d9: {  	v19 =	vadd.s32 v29, v19;
	v25 =	vsel vm1, $0x1, v0;
	v32 =	vor.u32 $0x5, v27;
	v41 =	vld.idx.msk [tilespmem:v41+s9+$0x0], $0xffff;
	[tilespmem:v15+s13+$0x0] =	vst.idx.msk $0xffff, v16  }
0x1da: {  	v15 =	vadd.s32 v36, v19;
	v16 =	vsel vm2, $0x1, v0;
	v19 =	vor.u32 $0x7, v10;
	[tilespmem:v50+s13+$0x0] =	vst.idx.msk $0xffff, v21  }
0x1db: {  	v29 =	vor.u32 $0x8, v35;
	v15 =	vadd.s32 v25, v15;
	v21 =	vsel vm0, $0x1, v0;
	v36 =	vld.idx.msk [tilespmem:v39+s9+$0x0], $0xffff;
	[tilespmem:v26+s13+$0x0] =	vst.idx.msk $0xffff, v20  }
0x1dc: {  	[tilespmem:v35+s13+$0x0] =	vst.idx.msk $0xffff, v37;
	v26 =	vld.idx.msk [tilespmem:v34+s9+$0x0], $0xffff;
	v34 =	vor.u32 $0x12, v3  }
0x1dd: {  	v25 =	vor.u32 $0x13, v3;
	v15 =	vadd.s32 v16, v15;
	v39 =	vor.u32 $0xE, v30;
	v37 =	vld.idx.msk [tilespmem:v43+s9+$0x0], $0xffff;
	[tilespmem:v51+s13+$0x0] =	vst.idx.msk $0xffff, v23  }
0x1de: {  	v16 =	vor.u32 $0x13, v5;
	v15 =	vadd.s32 v21, v15;
	v21 =	vor.u32 $0xF, v5;
	[tilespmem:v47+s13+$0x0] =	vst.idx.msk $0xffff, v40;
	v40 =	vld.idx.msk [tilespmem:v28+s9+$0x0], $0xffff  }
0x1df: {  	v44 =	vor.u32 $0x8, v4;
	v3 =	vmovc v6;
	v20 =	vshll.u32 v15, $0x7;
	v28 =	vor.u32 $0x5, v8;
	v43 =	vld.idx.msk [tilespmem:v19+s9+$0x0], $0xffff;
	[tilespmem:v42+s13+$0x0] =	vst.idx.msk $0xffff, v41  }
0x1e0: {  	v46 =	vor.u32 $0x9, v9;
	v45 =	vor.u32 $0x7, v11;
	v6 =	vmovc v10;
	v15 =	vor.u32 $0x13, v30;
	v47 =	vld.idx.msk [tilespmem:v33+s9+$0x0], $0xffff;
	[tilespmem:v14+s13+$0x0] =	vst.idx.msk $0xffff, v18  }
0x1e1: {  	v48 =	vor.u32 $0x2, v24;
	v49 =	vor.u32 $0xD, v7;
	v10 =	vmovc v24;
	v23 =	vor.u32 $0x13, v2;
	[tilespmem:v38+s13+$0x0] =	vst.idx.msk $0xffff, v36;
	v34 =	vld.idx.msk [tilespmem:v34+s9+$0x0], $0xffff  }
0x1e2: {  	v50 =	vor.u32 $0x8, v6;
	v51 =	vor.u32 $0x12, v2;
	v2 =	vmovc v7;
	v19 =	vor.u32 $0x12, v30;
	v32 =	vld.idx.msk [tilespmem:v32+s9+$0x0], $0xffff;
	[tilespmem:v39+s13+$0x0] =	vst.idx.msk $0xffff, v26  }
.Ltmp1:
0x1e3: {  	v7 =	vmovc v11;
	v39 =	vor.u32 $0xE, v3;
	v26 =	vor.u32 $0x11, v5;
	[tilespmem:v31+s13+$0x0] =	vst.idx.msk $0xffff, v37;
	v37 =	vld.idx.msk [tilespmem:v21+s9+$0x0], $0xffff;
	v21 =	vor.u32 $0x12, v5;
	(pc) =	sbr.rel @p0 .LBB2_4-.Ltmp1, $4  }
0x1e4: {  	v24 =	vor.u32 $0x11, v30;
	v11 =	vmovc v35;
	v41 =	vor.u32 $0xF, v30;
	v33 =	vor.u32 $0x10, v30;
	v42 =	vld.idx.msk [tilespmem:v20+s9+$0x0], $0xffff;
	[tilespmem:v44+s13+$0x0] =	vst.idx.msk $0xffff, v40  }
0x1e5: {  	v18 =	vor.u32 $0x11, v3;
	v14 =	vor.u32 $0x11, v2;
	v38 =	vor.u32 $0x10, v5;
	v5 =	vmovc v9;
	[tilespmem:v45+s13+$0x0] =	vst.idx.msk $0xffff, v43;
	v35 =	vld.idx.msk [tilespmem:v46+s9+$0x0], $0xffff  }
0x1e6: {  	v17 =	vor.u32 v1, v17;
	v40 =	vor.u32 $0x9, v4;
	v36 =	vor.u32 $0xA, v5;
	v45 =	vld.idx.msk [tilespmem:v48+s9+$0x0], $0xffff;
	[tilespmem:v49+s13+$0x0] =	vst.idx.msk $0xffff, v47  }
0x1e7: {  	s17 =	sadd.s32 $0x20, s17;
	s18 =	sadd.s32 $0x20, s18;
	v31 =	vor.u32 $0x6, v17;
	v9 =	vmovc v27;
	v44 =	vor.u32 $0x1, v20;
	v46 =	vor.u32 $0x2, v11;
	v43 =	vld.idx.msk [tilespmem:v50+s9+$0x0], $0xffff;
	[tilespmem:v51+s13+$0x0] =	vst.idx.msk $0xffff, v34  }
0x1e8: {  	_ =	sdelay $0x3  }
0x1e9: {  	[tilespmem:v17+s13+$0x0] =	vst.idx.msk $0xffff, v42  }
0x1ea: {  	v27 =	vor.u32 $0x1, v17;
	v30 =	vld.idx.msk [tilespmem:v44+s9+$0x0], $0xffff  }
0x1eb: {  	v34 =	vor.u32 $0x2, v20;
	_ =	sdelay $0x3  }
0x1ec: {  	[tilespmem:v27+s13+$0x0] =	vst.idx.msk $0xffff, v30  }
0x1ed: {  	v53 =	vor.u32 $0x2, v17;
	v30 =	vld.idx.msk [tilespmem:v34+s9+$0x0], $0xffff  }
0x1ee: {  	v54 =	vor.u32 $0x3, v20;
	_ =	sdelay $0x2  }
0x1ef: {  	[tilespmem:v46+s13+$0x0] =	vst.idx.msk $0xffff, v45  }
0x1f0: {  	v55 =	vor.u32 $0x3, v11;
	v22 =	vld.idx.msk [tilespmem:v22+s9+$0x0], $0xffff;
	[tilespmem:v53+s13+$0x0] =	vst.idx.msk $0xffff, v30  }
0x1f1: {  	v56 =	vor.u32 $0x4, v10;
	v57 =	vor.u32 $0x3, v17;
	v34 =	vld.idx.msk [tilespmem:v54+s9+$0x0], $0xffff  }
0x1f2: {  	v58 =	vor.u32 $0x4, v20;
	_ =	sdelay $0x2  }
0x1f3: {  	[tilespmem:v55+s13+$0x0] =	vst.idx.msk $0xffff, v22  }
0x1f4: {  	v59 =	vor.u32 $0x4, v11;
	v27 =	vld.idx.msk [tilespmem:v56+s9+$0x0], $0xffff;
	[tilespmem:v57+s13+$0x0] =	vst.idx.msk $0xffff, v34  }
0x1f5: {  	v60 =	vor.u32 $0x5, v10;
	v61 =	vor.u32 $0x4, v17;
	v62 =	vld.idx.msk [tilespmem:v58+s9+$0x0], $0xffff  }
0x1f6: {  	v63 =	vor.u32 $0x5, v20;
	_ =	sdelay $0x2  }
0x1f7: {  	[tilespmem:v59+s13+$0x0] =	vst.idx.msk $0xffff, v27  }
0x1f8: {  	v48 =	vor.u32 $0x6, v9;
	v49 =	vor.u32 $0x5, v11;
	v27 =	vld.idx.msk [tilespmem:v60+s9+$0x0], $0xffff;
	[tilespmem:v61+s13+$0x0] =	vst.idx.msk $0xffff, v62  }
0x1f9: {  	v50 =	vor.u32 $0x6, v10;
	v51 =	vor.u32 $0x5, v17;
	v44 =	vld.idx.msk [tilespmem:v63+s9+$0x0], $0xffff  }
0x1fa: {  	v52 =	vor.u32 $0x6, v20;
	_ =	sdelay $0x1  }
0x1fb: {  	[tilespmem:v28+s13+$0x0] =	vst.idx.msk $0xffff, v32  }
0x1fc: {  	v22 =	vld.idx.msk [tilespmem:v48+s9+$0x0], $0xffff;
	[tilespmem:v49+s13+$0x0] =	vst.idx.msk $0xffff, v27  }
0x1fd: {  	v53 =	vor.u32 $0x6, v11;
	v54 =	vor.u32 $0x7, v9;
	v30 =	vld.idx.msk [tilespmem:v50+s9+$0x0], $0xffff;
	[tilespmem:v51+s13+$0x0] =	vst.idx.msk $0xffff, v44  }
0x1fe: {  	v55 =	vor.u32 $0x7, v10;
	v56 =	vld.idx.msk [tilespmem:v52+s9+$0x0], $0xffff  }
0x1ff: {  	v57 =	vor.u32 $0x7, v20;
	_ =	sdelay $0x1  }
0x200: {  	[tilespmem:v13+s13+$0x0] =	vst.idx.msk $0xffff, v22  }
0x201: {  	v22 =	vld.idx.msk [tilespmem:v54+s9+$0x0], $0xffff;
	v58 =	vor.u32 $0x7, v8;
	[tilespmem:v53+s13+$0x0] =	vst.idx.msk $0xffff, v30  }
0x202: {  	v59 =	vor.u32 $0x8, v9;
	v61 =	vor.u32 $0x7, v11;
	v60 =	vld.idx.msk [tilespmem:v55+s9+$0x0], $0xffff;
	[tilespmem:v31+s13+$0x0] =	vst.idx.msk $0xffff, v56  }
0x203: {  	v62 =	vor.u32 $0x8, v10;
	v63 =	vor.u32 $0x7, v17;
	v34 =	vld.idx.msk [tilespmem:v57+s9+$0x0], $0xffff  }
0x204: {  	v45 =	vor.u32 $0x8, v20;
	_ =	sdelay $0x1  }
0x205: {  	v46 =	vor.u32 $0x9, v6;
	[tilespmem:v58+s13+$0x0] =	vst.idx.msk $0xffff, v22  }
0x206: {  	v47 =	vor.u32 $0x8, v8;
	v22 =	vld.idx.msk [tilespmem:v59+s9+$0x0], $0xffff;
	[tilespmem:v61+s13+$0x0] =	vst.idx.msk $0xffff, v60  }
0x207: {  	v48 =	vor.u32 $0x9, v9;
	v30 =	vld.idx.msk [tilespmem:v62+s9+$0x0], $0xffff;
	[tilespmem:v63+s13+$0x0] =	vst.idx.msk $0xffff, v34  }
0x208: {  	v49 =	vor.u32 $0x9, v10;
	v50 =	vor.u32 $0x8, v17;
	v32 =	vld.idx.msk [tilespmem:v45+s9+$0x0], $0xffff  }
0x209: {  	v39 =	vld.idx.msk [tilespmem:v39+s9+$0x0], $0xffff;
	[tilespmem:v12+s13+$0x0] =	vst.idx.msk $0xffff, v43;
	v51 =	vor.u32 $0x9, v20  }
0x20a: {  	[tilespmem:v41+s13+$0x0] =	vst.idx.msk $0xffff, v37;
	v13 =	vld.idx.msk [tilespmem:v46+s9+$0x0], $0xffff;
	v53 =	vor.u32 $0x9, v7  }
0x20b: {  	v25 =	vld.idx.msk [tilespmem:v25+s9+$0x0], $0xffff;
	[tilespmem:v47+s13+$0x0] =	vst.idx.msk $0xffff, v22;
	v52 =	vor.u32 $0xE, v2  }
0x20c: {  	v54 =	vor.u32 $0xA, v6;
	v55 =	vor.u32 $0x9, v8;
	v27 =	vld.idx.msk [tilespmem:v48+s9+$0x0], $0xffff;
	[tilespmem:v29+s13+$0x0] =	vst.idx.msk $0xffff, v30  }
0x20d: {  	v56 =	vor.u32 $0xA, v9;
	v57 =	vor.u32 $0x9, v11;
	v31 =	vld.idx.msk [tilespmem:v49+s9+$0x0], $0xffff;
	[tilespmem:v50+s13+$0x0] =	vst.idx.msk $0xffff, v32  }
0x20e: {  	[tilespmem:v40+s13+$0x0] =	vst.idx.msk $0xffff, v35;
	v58 =	vor.u32 $0xA, v10;
	v59 =	vor.u32 $0x9, v17;
	v34 =	vld.idx.msk [tilespmem:v51+s9+$0x0], $0xffff  }
0x20f: {  	[tilespmem:v53+s13+$0x0] =	vst.idx.msk $0xffff, v13;
	v60 =	vld.idx.msk [tilespmem:v38+s9+$0x0], $0xffff;
	v61 =	vor.u32 $0xA, v20  }
0x210: {  	v36 =	vld.idx.msk [tilespmem:v36+s9+$0x0], $0xffff;
	v62 =	vor.u32 $0xF, v3;
	[tilespmem:v52+s13+$0x0] =	vst.idx.msk $0xffff, v39;
	v63 =	vor.u32 $0xA, v4  }
0x211: {  	v43 =	vor.u32 $0xB, v5;
	v44 =	vor.u32 $0xA, v7;
	v22 =	vld.idx.msk [tilespmem:v54+s9+$0x0], $0xffff;
	[tilespmem:v55+s13+$0x0] =	vst.idx.msk $0xffff, v27  }
0x212: {  	v46 =	vor.u32 $0xA, v8;
	v28 =	vld.idx.msk [tilespmem:v56+s9+$0x0], $0xffff;
	v45 =	vor.u32 $0xB, v6;
	[tilespmem:v57+s13+$0x0] =	vst.idx.msk $0xffff, v31  }
0x213: {  	v47 =	vor.u32 $0xB, v9;
	v48 =	vor.u32 $0xA, v11;
	v32 =	vld.idx.msk [tilespmem:v58+s9+$0x0], $0xffff;
	[tilespmem:v59+s13+$0x0] =	vst.idx.msk $0xffff, v34  }
0x214: {  	[tilespmem:v33+s13+$0x0] =	vst.idx.msk $0xffff, v60;
	v49 =	vor.u32 $0xB, v10;
	v50 =	vor.u32 $0xA, v17;
	v34 =	vld.idx.msk [tilespmem:v61+s9+$0x0], $0xffff  }
0x215: {  	v53 =	vor.u32 $0xB, v20;
	v52 =	vld.idx.msk [tilespmem:v62+s9+$0x0], $0xffff;
	[tilespmem:v63+s13+$0x0] =	vst.idx.msk $0xffff, v36  }
0x216: {  	v54 =	vor.u32 $0xB, v4;
	[tilespmem:v44+s13+$0x0] =	vst.idx.msk $0xffff, v22;
	v12 =	vld.idx.msk [tilespmem:v43+s9+$0x0], $0xffff  }
0x217: {  	v55 =	vor.u32 $0xC, v5;
	v56 =	vor.u32 $0xB, v7;
	[tilespmem:v46+s13+$0x0] =	vst.idx.msk $0xffff, v28;
	v27 =	vld.idx.msk [tilespmem:v45+s9+$0x0], $0xffff  }
0x218: {  	v57 =	vor.u32 $0xC, v6;
	v30 =	vld.idx.msk [tilespmem:v47+s9+$0x0], $0xffff;
	v58 =	vor.u32 $0xB, v8;
	[tilespmem:v48+s13+$0x0] =	vst.idx.msk $0xffff, v32  }
0x219: {  	v60 =	vor.u32 $0xB, v11;
	v59 =	vor.u32 $0xC, v9;
	v33 =	vld.idx.msk [tilespmem:v49+s9+$0x0], $0xffff;
	[tilespmem:v50+s13+$0x0] =	vst.idx.msk $0xffff, v34  }
0x21a: {  	[tilespmem:v23+s13+$0x0] =	vst.idx.msk $0xffff, v25;
	v62 =	vor.u32 $0xB, v17;
	v61 =	vor.u32 $0xC, v10;
	v36 =	vld.idx.msk [tilespmem:v53+s9+$0x0], $0xffff  }
0x21b: {  	v63 =	vor.u32 $0xC, v20;
	v51 =	vor.u32 $0xF, v2;
	[tilespmem:v54+s13+$0x0] =	vst.idx.msk $0xffff, v12  }
0x21c: {  	v40 =	vor.u32 $0xC, v4;
	[tilespmem:v56+s13+$0x0] =	vst.idx.msk $0xffff, v27;
	v13 =	vld.idx.msk [tilespmem:v55+s9+$0x0], $0xffff  }
0x21d: {  	v41 =	vor.u32 $0xD, v5;
	v42 =	vor.u32 $0xC, v7;
	[tilespmem:v58+s13+$0x0] =	vst.idx.msk $0xffff, v30;
	v28 =	vld.idx.msk [tilespmem:v57+s9+$0x0], $0xffff  }
0x21e: {  	v44 =	vor.u32 $0xC, v8;
	v43 =	vor.u32 $0xD, v6;
	v31 =	vld.idx.msk [tilespmem:v59+s9+$0x0], $0xffff;
	[tilespmem:v60+s13+$0x0] =	vst.idx.msk $0xffff, v33  }
0x21f: {  	v46 =	vor.u32 $0xC, v11;
	v45 =	vor.u32 $0xD, v9;
	v34 =	vld.idx.msk [tilespmem:v61+s9+$0x0], $0xffff;
	[tilespmem:v62+s13+$0x0] =	vst.idx.msk $0xffff, v36  }
0x220: {  	v47 =	vor.u32 $0xD, v10;
	v48 =	vor.u32 $0xC, v17;
	[tilespmem:v51+s13+$0x0] =	vst.idx.msk $0xffff, v52;
	v12 =	vld.idx.msk [tilespmem:v63+s9+$0x0], $0xffff  }
0x221: {  	v26 =	vld.idx.msk [tilespmem:v26+s9+$0x0], $0xffff;
	v49 =	vor.u32 $0xD, v20;
	[tilespmem:v40+s13+$0x0] =	vst.idx.msk $0xffff, v13  }
0x222: {  	v51 =	vor.u32 $0xD, v4;
	[tilespmem:v42+s13+$0x0] =	vst.idx.msk $0xffff, v28;
	v22 =	vld.idx.msk [tilespmem:v41+s9+$0x0], $0xffff  }
0x223: {  	v52 =	vor.u32 $0xE, v5;
	v28 =	vld.idx.msk [tilespmem:v43+s9+$0x0], $0xffff;
	v53 =	vor.u32 $0xD, v7;
	[tilespmem:v44+s13+$0x0] =	vst.idx.msk $0xffff, v31  }
0x224: {  	v54 =	vor.u32 $0xE, v6;
	v55 =	vor.u32 $0xD, v8;
	v32 =	vld.idx.msk [tilespmem:v45+s9+$0x0], $0xffff;
	[tilespmem:v46+s13+$0x0] =	vst.idx.msk $0xffff, v34  }
0x225: {  	v56 =	vor.u32 $0xE, v9;
	v57 =	vor.u32 $0xD, v11;
	v23 =	vld.idx.msk [tilespmem:v47+s9+$0x0], $0xffff;
	[tilespmem:v48+s13+$0x0] =	vst.idx.msk $0xffff, v12  }
0x226: {  	[tilespmem:v24+s13+$0x0] =	vst.idx.msk $0xffff, v26;
	v58 =	vor.u32 $0xE, v10;
	v59 =	vor.u32 $0xD, v17;
	v13 =	vld.idx.msk [tilespmem:v49+s9+$0x0], $0xffff  }
0x227: {  	v21 =	vld.idx.msk [tilespmem:v21+s9+$0x0], $0xffff;
	[tilespmem:v51+s13+$0x0] =	vst.idx.msk $0xffff, v22;
	v62 =	vor.u32 $0xE, v20  }
0x228: {  	v50 =	vor.u32 $0x10, v3;
	v27 =	vld.idx.msk [tilespmem:v52+s9+$0x0], $0xffff;
	[tilespmem:v53+s13+$0x0] =	vst.idx.msk $0xffff, v28;
	v63 =	vor.u32 $0xE, v4  }
0x229: {  	v37 =	vor.u32 $0xE, v7;
	v36 =	vor.u32 $0xF, v5;
	v29 =	vld.idx.msk [tilespmem:v54+s9+$0x0], $0xffff;
	[tilespmem:v55+s13+$0x0] =	vst.idx.msk $0xffff, v32  }
0x22a: {  	v38 =	vor.u32 $0xF, v6;
	v39 =	vor.u32 $0xE, v8;
	v32 =	vld.idx.msk [tilespmem:v56+s9+$0x0], $0xffff;
	[tilespmem:v57+s13+$0x0] =	vst.idx.msk $0xffff, v23  }
0x22b: {  	v40 =	vor.u32 $0xF, v9;
	v41 =	vor.u32 $0xE, v11;
	v12 =	vld.idx.msk [tilespmem:v58+s9+$0x0], $0xffff;
	[tilespmem:v59+s13+$0x0] =	vst.idx.msk $0xffff, v13  }
0x22c: {  	[tilespmem:v19+s13+$0x0] =	vst.idx.msk $0xffff, v21;
	v42 =	vor.u32 $0xF, v10;
	v43 =	vor.u32 $0xE, v17;
	v22 =	vld.idx.msk [tilespmem:v62+s9+$0x0], $0xffff  }
0x22d: {  	v60 =	vor.u32 $0x10, v2;
	v44 =	vor.u32 $0xF, v20;
	v61 =	vld.idx.msk [tilespmem:v50+s9+$0x0], $0xffff;
	[tilespmem:v63+s13+$0x0] =	vst.idx.msk $0xffff, v27  }
0x22e: {  	v46 =	vor.u32 $0xF, v4;
	[tilespmem:v37+s13+$0x0] =	vst.idx.msk $0xffff, v29;
	v45 =	vld.idx.msk [tilespmem:v36+s9+$0x0], $0xffff  }
0x22f: {  	v47 =	vor.u32 $0x10, v5;
	v48 =	vor.u32 $0xF, v7;
	v30 =	vld.idx.msk [tilespmem:v38+s9+$0x0], $0xffff;
	[tilespmem:v39+s13+$0x0] =	vst.idx.msk $0xffff, v32  }
0x230: {  	v50 =	vor.u32 $0xF, v8;
	v49 =	vor.u32 $0x10, v6;
	v23 =	vld.idx.msk [tilespmem:v40+s9+$0x0], $0xffff;
	[tilespmem:v41+s13+$0x0] =	vst.idx.msk $0xffff, v12  }
0x231: {  	v51 =	vor.u32 $0x10, v9;
	v52 =	vor.u32 $0xF, v11;
	v13 =	vld.idx.msk [tilespmem:v42+s9+$0x0], $0xffff;
	[tilespmem:v43+s13+$0x0] =	vst.idx.msk $0xffff, v22  }
0x232: {  	v53 =	vor.u32 $0x10, v10;
	[tilespmem:v60+s13+$0x0] =	vst.idx.msk $0xffff, v61;
	v55 =	vor.u32 $0xF, v17;
	v54 =	vld.idx.msk [tilespmem:v44+s9+$0x0], $0xffff  }
0x233: {  	v16 =	vld.idx.msk [tilespmem:v16+s9+$0x0], $0xffff;
	v56 =	vor.u32 $0x10, v20;
	[tilespmem:v46+s13+$0x0] =	vst.idx.msk $0xffff, v45  }
0x234: {  	v57 =	vor.u32 $0x10, v4;
	[tilespmem:v48+s13+$0x0] =	vst.idx.msk $0xffff, v30;
	v26 =	vld.idx.msk [tilespmem:v47+s9+$0x0], $0xffff  }
0x235: {  	v58 =	vor.u32 $0x11, v5;
	v59 =	vor.u32 $0x10, v7;
	v29 =	vld.idx.msk [tilespmem:v49+s9+$0x0], $0xffff;
	[tilespmem:v50+s13+$0x0] =	vst.idx.msk $0xffff, v23  }
0x236: {  	v60 =	vor.u32 $0x11, v6;
	v61 =	vor.u32 $0x10, v8;
	v12 =	vld.idx.msk [tilespmem:v51+s9+$0x0], $0xffff;
	[tilespmem:v52+s13+$0x0] =	vst.idx.msk $0xffff, v13  }
0x237: {  	v63 =	vor.u32 $0x10, v11;
	v62 =	vor.u32 $0x11, v9;
	v19 =	vld.idx.msk [tilespmem:v53+s9+$0x0], $0xffff;
	[tilespmem:v55+s13+$0x0] =	vst.idx.msk $0xffff, v54  }
0x238: {  	[tilespmem:v15+s13+$0x0] =	vst.idx.msk $0xffff, v16;
	v33 =	vor.u32 $0x11, v10;
	v34 =	vor.u32 $0x10, v17;
	v21 =	vld.idx.msk [tilespmem:v56+s9+$0x0], $0xffff  }
0x239: {  	v35 =	vor.u32 $0x11, v20;
	v18 =	vld.idx.msk [tilespmem:v18+s9+$0x0], $0xffff;
	[tilespmem:v57+s13+$0x0] =	vst.idx.msk $0xffff, v26  }
0x23a: {  	v37 =	vor.u32 $0x11, v4;
	v36 =	vor.u32 $0x12, v3;
	[tilespmem:v59+s13+$0x0] =	vst.idx.msk $0xffff, v29;
	v26 =	vld.idx.msk [tilespmem:v58+s9+$0x0], $0xffff  }
0x23b: {  	v38 =	vor.u32 $0x12, v5;
	v39 =	vor.u32 $0x11, v7;
	v23 =	vld.idx.msk [tilespmem:v60+s9+$0x0], $0xffff;
	[tilespmem:v61+s13+$0x0] =	vst.idx.msk $0xffff, v12  }
0x23c: {  	v40 =	vor.u32 $0x12, v6;
	v41 =	vor.u32 $0x11, v8;
	v13 =	vld.idx.msk [tilespmem:v62+s9+$0x0], $0xffff;
	[tilespmem:v63+s13+$0x0] =	vst.idx.msk $0xffff, v19  }
0x23d: {  	v42 =	vor.u32 $0x12, v9;
	v43 =	vor.u32 $0x11, v11;
	v15 =	vld.idx.msk [tilespmem:v33+s9+$0x0], $0xffff;
	[tilespmem:v34+s13+$0x0] =	vst.idx.msk $0xffff, v21  }
0x23e: {  	[tilespmem:v14+s13+$0x0] =	vst.idx.msk $0xffff, v18;
	v45 =	vor.u32 $0x11, v17;
	v44 =	vor.u32 $0x12, v10;
	v46 =	vld.idx.msk [tilespmem:v35+s9+$0x0], $0xffff  }
0x23f: {  	v48 =	vor.u32 $0x12, v2;
	v47 =	vld.idx.msk [tilespmem:v36+s9+$0x0], $0xffff;
	v49 =	vor.u32 $0x12, v20;
	[tilespmem:v37+s13+$0x0] =	vst.idx.msk $0xffff, v26  }
0x240: {  	v3 =	vor.u32 $0x13, v3;
	v50 =	vor.u32 $0x12, v4;
	[tilespmem:v39+s13+$0x0] =	vst.idx.msk $0xffff, v23;
	v26 =	vld.idx.msk [tilespmem:v38+s9+$0x0], $0xffff  }
0x241: {  	v51 =	vor.u32 $0x13, v5;
	v52 =	vor.u32 $0x12, v7;
	v12 =	vld.idx.msk [tilespmem:v40+s9+$0x0], $0xffff;
	[tilespmem:v41+s13+$0x0] =	vst.idx.msk $0xffff, v13  }
0x242: {  	v53 =	vor.u32 $0x13, v6;
	v54 =	vor.u32 $0x12, v8;
	v19 =	vld.idx.msk [tilespmem:v42+s9+$0x0], $0xffff;
	[tilespmem:v43+s13+$0x0] =	vst.idx.msk $0xffff, v15  }
0x243: {  	v55 =	vor.u32 $0x13, v9;
	v56 =	vor.u32 $0x12, v11;
	v14 =	vld.idx.msk [tilespmem:v44+s9+$0x0], $0xffff;
	[tilespmem:v45+s13+$0x0] =	vst.idx.msk $0xffff, v46  }
0x244: {  	[tilespmem:v48+s13+$0x0] =	vst.idx.msk $0xffff, v47;
	v57 =	vor.u32 $0x13, v10;
	v58 =	vor.u32 $0x12, v17;
	v18 =	vld.idx.msk [tilespmem:v49+s9+$0x0], $0xffff  }
0x245: {  	v2 =	vor.u32 $0x13, v2;
	v59 =	vor.u32 $0x13, v20;
	v3 =	vld.idx.msk [tilespmem:v3+s9+$0x0], $0xffff;
	[tilespmem:v50+s13+$0x0] =	vst.idx.msk $0xffff, v26  }
0x246: {  	v60 =	vor.u32 $0x13, v4;
	[tilespmem:v52+s13+$0x0] =	vst.idx.msk $0xffff, v12;
	v5 =	vld.idx.msk [tilespmem:v51+s9+$0x0], $0xffff  }
0x247: {  	v61 =	vor.u32 $0x13, v7;
	v6 =	vld.idx.msk [tilespmem:v53+s9+$0x0], $0xffff;
	[tilespmem:v54+s13+$0x0] =	vst.idx.msk $0xffff, v19  }
0x248: {  	v62 =	vor.u32 $0x13, v8;
	v9 =	vld.idx.msk [tilespmem:v55+s9+$0x0], $0xffff;
	[tilespmem:v56+s13+$0x0] =	vst.idx.msk $0xffff, v14  }
0x249: {  	v63 =	vor.u32 $0x13, v11;
	v10 =	vld.idx.msk [tilespmem:v57+s9+$0x0], $0xffff;
	[tilespmem:v58+s13+$0x0] =	vst.idx.msk $0xffff, v18  }
0x24a: {  	[tilespmem:v2+s13+$0x0] =	vst.idx.msk $0xffff, v3;
	v2 =	vor.u32 $0x13, v17;
	v3 =	vld.idx.msk [tilespmem:v59+s9+$0x0], $0xffff  }
0x24b: {  	[tilespmem:v60+s13+$0x0] =	vst.idx.msk $0xffff, v5  }
0x24c: {  	[tilespmem:v61+s13+$0x0] =	vst.idx.msk $0xffff, v6  }
0x24d: {  	[tilespmem:v62+s13+$0x0] =	vst.idx.msk $0xffff, v9  }
0x24e: {  	[tilespmem:v63+s13+$0x0] =	vst.idx.msk $0xffff, v10  }
0x24f: {  	s15 =	sadd.s32 $0x1, s15;
	[tilespmem:v2+s13+$0x0] =	vst.idx.msk $0xffff, v3  }
0x250: {  	[hbm4b:s7+s3] =	stream.linear.scatter [tilespmem:s14], [sflag:$0x2], $0x8000, $0x38;
	[tilespmem:$0x10A00] =	vst v63  }
0x251: {  	p0 =	sne.s32 s15, s8;
	_ =	swait.ge [sflag:s11], $0x8000  }
.Ltmp2:
0x252: {  	[sflag:s11] =	ssyncset.done $0x0;
	(pc) =	sbr.rel @p0 .LBB2_1-.Ltmp2, $4  }
0x253: {  	[sflag:s11] =	ssyncadd.s32 $0xFFFF8000  }
0x254: {  	_ =	swait.ge [sflag:s12], $0x8000  }
0x255: {  	[sflag:s12] =	ssyncset.done $0x0  }
0x256: {  	[sflag:s12] =	ssyncadd.s32 $0xFFFF8000  }
0x257: {  	_ =	sfence.sel $0x180000  }
0x258: {  	[bflag:$0x0] =	sbarrier.arrive $0xFFFF  }
0x259: {  	p0 =	sne.s32 s1, $0x0;
	_ =	strace $0x90000047  }
0x25a: {  	s0 =	sadd.s32 @!p0 $0x100000, s0;
	[bflag:$0x2] =	sbarrier.arrive $0xFFFF  }
0x25b: {  	[sflag:s0] =	ssyncadd.tile.s32 @!p0 $0x1;
	_ =	shalt  }
.Lfunc_end2:
_tile_overlayer_lowered:
.L_overlay_start_2:
0x25c: {  	(tag) =	ssettag $0x2  }
0x25d: {  	s0 =	rddreg [dreg:$0x0];
	s2 =	stileid.u32  }
0x25e: {  	s1 =	rddreg [dreg:$0x1];
	p0 =	sne.s32 s2, $0x0  }
0x25f: {  	s3 =	rddreg [dreg:$0x2];
	[bflag:$0x3] =	sbarrier.arrive $0xFFFF;
	s2 =	simm.s32 @!p0 $0x1C02  }
0x260: {  	[timem:s3], [sflag:s2] =	dma.local @!p0 [hbm:s0], s1  }
0x261: {  	s0 =	simm.s32 @!p0 $0x2  }
0x262: {  	_ =	swait.ge @!p0 [sflag:s0], s1  }
0x263: {  	s1 =	ssub.s32 @!p0 $0x0, s1;
	[sflag:s0] =	ssyncset.done @!p0 $0x0  }
0x264: {  	[sflag:s0] =	ssyncadd.s32 @!p0 s1  }
0x265: {  	[bflag:$0x3] =	sbarrier.arrive $0xFFFF  }
0x266: {  	_ =	shalt  }

</sc_bundles>
